<compile_context>
chip_gen: v7x
topology: tpu7x:2x2x1
jax: 0.10.2.dev20260603
libtpu: 0.0.44.dev20260713+nightly
codegen_flags: <defaults>
</compile_context>

<pallas_src>
import functools

import jax
import jax.numpy as jnp
from jax import lax
from jax.experimental import pallas as pl
from jax.experimental.pallas import tpu as pltpu
from jax.experimental.pallas import tpu_sc as plsc

NC = 2
NS = 16
NW = NC * NS

CHUNK = 80


def _deg_body(n_pad, chunks_per_tile, ei_ref, out_ref, cidx, ones_v, zbuf,
              acc, dsem):
    c = lax.axis_index("c")
    s = lax.axis_index("s")
    wid = c * NS + s
    rows_per_tile = n_pad // NS

    def fill(i, _):
        ones_v[i] = jnp.ones((16,), jnp.float32)
        return 0
    lax.fori_loop(0, CHUNK, fill, 0)

    def zfill(i, _):
        zbuf[i] = jnp.zeros((16,), jnp.float32)
        return 0
    lax.fori_loop(0, rows_per_tile, zfill, 0)

    pltpu.sync_copy(zbuf, acc.at[pl.ds(s * rows_per_tile, rows_per_tile)])
    plsc.subcore_barrier()

    ept = chunks_per_tile * CHUNK
    pltpu.sync_copy(ei_ref.at[1, pl.ds(wid * ept, ept)], cidx)

    def step(j, _):
        pltpu.async_copy(ones_v, acc.at[cidx.at[pl.ds(j * CHUNK, CHUNK)]],
                         dsem, add=True)
        return 0
    lax.fori_loop(0, chunks_per_tile, step, 0)

    def drain(j, _):
        pltpu.make_async_copy(ones_v, acc.at[cidx.at[pl.ds(0, CHUNK)]],
                              dsem).wait()
        return 0
    lax.fori_loop(0, chunks_per_tile, drain, 0)

    plsc.subcore_barrier()
    pltpu.sync_copy(acc.at[pl.ds(s * rows_per_tile, rows_per_tile)], zbuf)
    pltpu.sync_copy(zbuf,
                    out_ref.at[c, pl.ds(s * rows_per_tile, rows_per_tile)])


def _agg_body(n_pad, dh, chunks_per_tile, nbuf, y0_ref, y1_ref, ei_ref,
              out0_ref, out1_ref, ridx, cidx, *scratch):
    rows = scratch[:nbuf]
    zbuf = scratch[nbuf]
    acc = scratch[nbuf + 1]
    gsem = scratch[nbuf + 2:2 * nbuf + 2]
    ssem = scratch[2 * nbuf + 2:]
    c = lax.axis_index("c")
    s = lax.axis_index("s")
    wid = c * NS + s
    rows_per_tile = n_pad // NS
    zrows = rows_per_tile // 5
    ngroups = chunks_per_tile // nbuf

    def zfill(i, _):
        for p in range(dh // 16):
            zbuf[i, pl.ds(p * 16, 16)] = jnp.zeros((16,), jnp.float32)
        return 0

    ept = chunks_per_tile * CHUNK
    pltpu.sync_copy(ei_ref.at[0, pl.ds(wid * ept, ept)], ridx)
    pltpu.sync_copy(ei_ref.at[1, pl.ds(wid * ept, ept)], cidx)

    def islice(ref, jj):
        return ref.at[pl.ds(pl.multiple_of(jj * CHUNK, CHUNK), CHUNK)]

    lax.fori_loop(0, zrows, zfill, 0)
    for y_ref, out_ref in ((y0_ref, out0_ref), (y1_ref, out1_ref)):
        for jj in range(5):
            pltpu.sync_copy(
                zbuf, acc.at[pl.ds(s * rows_per_tile + jj * zrows, zrows)])
        plsc.subcore_barrier()

        for b in range(nbuf):
            pltpu.async_copy(y_ref.at[islice(ridx, b)], rows[b], gsem[b])

        def group(k, _):
            for b in range(nbuf):
                jj = nbuf * k + b
                pltpu.make_async_copy(y_ref.at[islice(ridx, jj)], rows[b],
                                      gsem[b]).wait()
                pltpu.async_copy(rows[b], acc.at[islice(cidx, jj)], ssem[b],
                                 add=True)
            for b in range(nbuf):
                jj = nbuf * k + b
                pltpu.make_async_copy(rows[b], acc.at[islice(cidx, 0)],
                                      ssem[b]).wait()
                pltpu.async_copy(y_ref.at[islice(ridx, jj + nbuf)], rows[b],
                                 gsem[b])
            return 0
        lax.fori_loop(0, ngroups - 1, group, 0)

        for b in range(nbuf):
            jj = nbuf * (ngroups - 1) + b
            pltpu.make_async_copy(y_ref.at[islice(ridx, jj)], rows[b],
                                  gsem[b]).wait()
            pltpu.async_copy(rows[b], acc.at[islice(cidx, jj)], ssem[b],
                             add=True)
        for b in range(nbuf):
            pltpu.make_async_copy(rows[b], acc.at[islice(cidx, 0)],
                                  ssem[b]).wait()

        plsc.subcore_barrier()
        base = s * rows_per_tile
        pltpu.sync_copy(acc.at[pl.ds(base, rows_per_tile)],
                        out_ref.at[c, pl.ds(base, rows_per_tile)])


def _prescale_body(rb, dh, degp_ref, x_ref, y0_ref, y1_ref):
    i = pl.program_id(0)
    deg = (degp_ref[0, pl.ds(i * rb, rb), 0:1]
           + degp_ref[1, pl.ds(i * rb, rb), 0:1] + 1.0)
    dinv = lax.rsqrt(deg)
    y0_ref[...] = x_ref[:, pl.ds(0, dh)] * dinv
    y1_ref[...] = x_ref[:, pl.ds(dh, dh)] * dinv


def _final_body(rb, s00_ref, s01_ref, s10_ref, s11_ref, y0_ref, y1_ref,
                degp_ref, wt_ref, b_ref, g_ref, beta_ref, o_ref):
    i = pl.program_id(0)
    deg = (degp_ref[0, pl.ds(i * rb, rb), 0:1]
           + degp_ref[1, pl.ds(i * rb, rb), 0:1] + 1.0)
    dinv = lax.rsqrt(deg)
    dh = y0_ref.shape[-1]
    agg_l = (s00_ref[0] + s10_ref[0] + y0_ref[...]) * dinv
    agg_r = (s01_ref[0] + s11_ref[0] + y1_ref[...]) * dinv
    h = jnp.dot(agg_l, wt_ref[pl.ds(0, dh), :],
                preferred_element_type=jnp.float32)
    h = h + jnp.dot(agg_r, wt_ref[pl.ds(dh, dh), :],
                    preferred_element_type=jnp.float32)
    h = h + b_ref[...]
    mean = jnp.mean(h, axis=1, keepdims=True)
    zc = h - mean
    var = jnp.mean(zc * zc, axis=1, keepdims=True)
    o_ref[...] = zc * lax.rsqrt(var + 1e-5) * g_ref[...] + beta_ref[...]


@jax.jit
def kernel(x, edge_index, W, b, gamma, beta):
    n, d = x.shape
    dh = d // 2
    e = edge_index.shape[1]
    nchunks = e // CHUNK
    chunks_per_tile = nchunks // NW

    ei32 = edge_index.astype(jnp.int32)

    mesh = plsc.VectorSubcoreMesh(
        core_axis_name="c", subcore_axis_name="s",
        num_cores=NC, num_subcores=NS)

    n_pad = ((n + NS * 40 - 1) // (NS * 40)) * (NS * 40)
    rows_per_tile = n_pad // NS

    deg_call = pl.kernel(
        functools.partial(_deg_body, n_pad, chunks_per_tile),
        out_type=jax.ShapeDtypeStruct((NC, n_pad, 16), jnp.float32),
        mesh=mesh,
        scratch_types=[
            pltpu.VMEM((chunks_per_tile * CHUNK,), jnp.int32),
            pltpu.VMEM((CHUNK, 16), jnp.float32),
            pltpu.VMEM((rows_per_tile, 16), jnp.float32),
            pltpu.VMEM_SHARED((n_pad, 16), jnp.float32),
            pltpu.SemaphoreType.DMA,
        ],
        compiler_params=pltpu.CompilerParams(use_tc_tiling_on_sc=False),
    )
    degp = deg_call(ei32)

    nb = 10
    rb = n // nb
    y0, y1 = pl.pallas_call(
        functools.partial(_prescale_body, rb, dh),
        grid=(nb,),
        in_specs=[
            pl.BlockSpec((NC, n_pad, 16), lambda i: (0, 0, 0)),
            pl.BlockSpec((rb, d), lambda i: (i, 0)),
        ],
        out_specs=[
            pl.BlockSpec((rb, dh), lambda i: (i, 0)),
            pl.BlockSpec((rb, dh), lambda i: (i, 0)),
        ],
        out_shape=[
            jax.ShapeDtypeStruct((n, dh), jnp.float32),
            jax.ShapeDtypeStruct((n, dh), jnp.float32),
        ],
    )(degp, x)

    nbuf = 5
    agg_call = pl.kernel(
        functools.partial(_agg_body, n_pad, dh, chunks_per_tile, nbuf),
        out_type=[
            jax.ShapeDtypeStruct((NC, n_pad, dh), jnp.float32),
            jax.ShapeDtypeStruct((NC, n_pad, dh), jnp.float32),
        ],
        mesh=mesh,
        scratch_types=(
            [pltpu.VMEM((chunks_per_tile * CHUNK,), jnp.int32),
             pltpu.VMEM((chunks_per_tile * CHUNK,), jnp.int32)]
            + [pltpu.VMEM((CHUNK, dh), jnp.float32) for _ in range(nbuf)]
            + [pltpu.VMEM((rows_per_tile // 5, dh), jnp.float32),
               pltpu.VMEM_SHARED((n_pad, dh), jnp.float32)]
            + [pltpu.SemaphoreType.DMA for _ in range(2 * nbuf)]
        ),
        compiler_params=pltpu.CompilerParams(use_tc_tiling_on_sc=False),
    )
    sp0, sp1 = agg_call(y0, y1, ei32)

    out = pl.pallas_call(
        functools.partial(_final_body, rb),
        grid=(nb,),
        in_specs=[
            pl.BlockSpec((1, rb, dh), lambda i: (0, i, 0)),
            pl.BlockSpec((1, rb, dh), lambda i: (0, i, 0)),
            pl.BlockSpec((1, rb, dh), lambda i: (1, i, 0)),
            pl.BlockSpec((1, rb, dh), lambda i: (1, i, 0)),
            pl.BlockSpec((rb, dh), lambda i: (i, 0)),
            pl.BlockSpec((rb, dh), lambda i: (i, 0)),
            pl.BlockSpec((NC, n_pad, 16), lambda i: (0, 0, 0)),
            pl.BlockSpec((d, d), lambda i: (0, 0)),
            pl.BlockSpec((1, d), lambda i: (0, 0)),
            pl.BlockSpec((1, d), lambda i: (0, 0)),
            pl.BlockSpec((1, d), lambda i: (0, 0)),
        ],
        out_specs=pl.BlockSpec((rb, d), lambda i: (i, 0)),
        out_shape=jax.ShapeDtypeStruct((n, d), jnp.float32),
    )(sp0, sp1, sp0, sp1,
      y0, y1, degp, W.T, b.reshape(1, d), gamma.reshape(1, d),
      beta.reshape(1, d))
    return out

# --- scband reference (transcript-rebuilt; emitter-appended) ---
"""Pipeline reference for scband-enhanced-ultra-74251394613542 (READ-ONLY COPY).

The authoritative reference and input builder live on the scoring server;
editing this copy changes nothing except your own understanding.
"""

import jax, jax.numpy as jnp
import numpy as np

N_NODES = 10000
N_EDGES = 320000
D = 128

def setup_inputs(seed: int = 0) -> dict:
    key = jax.random.key(seed)
    k1, k2, k3, k4 = jax.random.split(key, 4)
    x = jax.random.normal(k1, (N_NODES, D), dtype=jnp.float32)
    edge_index = jax.random.randint(k2, (2, N_EDGES), 0, N_NODES, dtype=jnp.int64)
    # SimpleGCNLayer params: nn.Linear(D, D) + nn.LayerNorm(D)
    W = jax.random.normal(k3, (D, D), dtype=jnp.float32) * (1.0 / np.sqrt(D))
    b = jnp.zeros((D,), dtype=jnp.float32)
    gamma = jnp.ones((D,), dtype=jnp.float32)
    beta = jnp.zeros((D,), dtype=jnp.float32)
    return {"x": x, "edge_index": edge_index, "W": W, "b": b, "gamma": gamma, "beta": beta}

def reference(x, edge_index, W, b, gamma, beta):
    # Faithful JAX port of SimpleGCNLayer (PyG MessagePassing, aggr='add'):
    #   edge_index, _ = add_self_loops(edge_index, num_nodes=N)
    #   deg = degree(col); norm = deg^-0.5[row] * deg^-0.5[col]
    #   out = scatter_add(norm * x[row], col); out = LayerNorm(Linear(out))
    N = x.shape[0]
    self_loops = jnp.arange(N, dtype=edge_index.dtype)
    row = jnp.concatenate([edge_index[0], self_loops])
    col = jnp.concatenate([edge_index[1], self_loops])
    # degree of target (col) nodes
    deg = jnp.zeros((N,), dtype=x.dtype).at[col].add(jnp.ones_like(col, dtype=x.dtype))
    deg_inv_sqrt = jnp.where(deg > 0, deg ** -0.5, 0.0)
    norm = deg_inv_sqrt[row] * deg_inv_sqrt[col]
    # message: norm.view(-1,1) * x_j ; aggregate: scatter-add at col (target)
    msg = norm[:, None] * jnp.take(x, row, axis=0)
    agg = jax.ops.segment_sum(msg, col, num_segments=N)
    # lin
    out = agg @ W.T + b
    # LayerNorm (eps=1e-5, elementwise affine)
    mean = jnp.mean(out, axis=-1, keepdims=True)
    var = jnp.mean((out - mean) ** 2, axis=-1, keepdims=True)
    out = (out - mean) / jnp.sqrt(var + 1e-5) * gamma + beta
    return out

if __name__ == "__main__":
    import jax
    _d = setup_inputs()
    print(jax.jit(kernel)(*tuple(_d.values())))

</pallas_src>

<mosaic_0001>
#map = affine_map<(d0, d1) -> (0, 0)>
#map1 = affine_map<(d0, d1) -> (0, 0, 0)>
module attributes {stable_mosaic.version = 14 : i64} {
  func.func @_agg_body(%arg0: i32, %arg1: i32, %arg2: memref<10000x64xf32, #tpu.memory_space<hbm>>, %arg3: memref<10000x64xf32, #tpu.memory_space<hbm>>, %arg4: memref<2x320000xi32, #tpu.memory_space<hbm>>, %arg5: memref<2x10240x64xf32, #tpu.memory_space<hbm>>, %arg6: memref<2x10240x64xf32, #tpu.memory_space<hbm>>, %arg7: memref<10000xi32, #tpu.memory_space<vmem>>, %arg8: memref<10000xi32, #tpu.memory_space<vmem>>, %arg9: memref<80x64xf32, #tpu.memory_space<vmem>>, %arg10: memref<80x64xf32, #tpu.memory_space<vmem>>, %arg11: memref<80x64xf32, #tpu.memory_space<vmem>>, %arg12: memref<80x64xf32, #tpu.memory_space<vmem>>, %arg13: memref<80x64xf32, #tpu.memory_space<vmem>>, %arg14: memref<128x64xf32, #tpu.memory_space<vmem>>, %arg15: memref<10240x64xf32, #tpu.memory_space<vmem_shared>>, %arg16: memref<!tpu.dma_semaphore, #tpu.memory_space<semaphore_mem>>, %arg17: memref<!tpu.dma_semaphore, #tpu.memory_space<semaphore_mem>>, %arg18: memref<!tpu.dma_semaphore, #tpu.memory_space<semaphore_mem>>, %arg19: memref<!tpu.dma_semaphore, #tpu.memory_space<semaphore_mem>>, %arg20: memref<!tpu.dma_semaphore, #tpu.memory_space<semaphore_mem>>, %arg21: memref<!tpu.dma_semaphore, #tpu.memory_space<semaphore_mem>>, %arg22: memref<!tpu.dma_semaphore, #tpu.memory_space<semaphore_mem>>, %arg23: memref<!tpu.dma_semaphore, #tpu.memory_space<semaphore_mem>>, %arg24: memref<!tpu.dma_semaphore, #tpu.memory_space<semaphore_mem>>, %arg25: memref<!tpu.dma_semaphore, #tpu.memory_space<semaphore_mem>>) attributes {dimension_semantics = [#tpu.dimension_semantics<core_parallel>, #tpu.dimension_semantics<subcore_parallel>], iteration_bounds = array<i64: 2, 16>, scalar_prefetch = 0 : i64, scratch_operands = 19 : i64, tpu.core_type = #tpu.core_type<sc_vector_subcore>, window_params = [{transform_indices = #map}, {transform_indices = #map}, {transform_indices = #map}, {transform_indices = #map1}, {transform_indices = #map1}]} {
    %mul3A = arith.constant 16 : i32
    %mul3A_0 = arith.muli %arg0, %mul3A : i32
    %add3A = arith.addi %mul3A_0, %arg1 : i32
    %mul3A_1 = arith.constant 10000 : i32
    %mul3A_2 = arith.muli %add3A, %mul3A_1 : i32
    %run_scoped3A = arith.constant 0 : i32
    "tpu.region"() ({
      %run_scoped3A_310 = tpu.sem_alloc : memref<!tpu.dma_semaphore, #tpu.memory_space<semaphore_mem>>
      %dma_start3A_311 = tpu.memref_slice %arg4[%run_scoped3A, %mul3A_2] : memref<2x320000xi32, #tpu.memory_space<hbm>> -> memref<1x10000xi32, #tpu.memory_space<hbm>>
      %dma_start3A_312 = tpu.memref_squeeze %dma_start3A_311 : memref<1x10000xi32, #tpu.memory_space<hbm>> -> memref<10000xi32, #tpu.memory_space<hbm>>
      %dma_start3A_313 = tpu.memref_slice %arg4[%run_scoped3A, %mul3A_2] : memref<2x320000xi32, #tpu.memory_space<hbm>> -> memref<1x10000xi32, #tpu.memory_space<hbm>>
      %dma_start3A_314 = tpu.memref_squeeze %dma_start3A_313 : memref<1x10000xi32, #tpu.memory_space<hbm>> -> memref<10000xi32, #tpu.memory_space<hbm>>
      tpu.enqueue_dma source(%dma_start3A_314 : memref<10000xi32, #tpu.memory_space<hbm>>) target(%arg7 : memref<10000xi32, #tpu.memory_space<vmem>>) target_semaphore(%run_scoped3A_310 : memref<!tpu.dma_semaphore, #tpu.memory_space<semaphore_mem>>)
      %dma_wait3A_315 = tpu.memref_slice %arg4[%run_scoped3A, %mul3A_2] : memref<2x320000xi32, #tpu.memory_space<hbm>> -> memref<1x10000xi32, #tpu.memory_space<hbm>>
      %dma_wait3A_316 = tpu.memref_squeeze %dma_wait3A_315 : memref<1x10000xi32, #tpu.memory_space<hbm>> -> memref<10000xi32, #tpu.memory_space<hbm>>
      %dma_wait3A_317 = tpu.memref_slice %arg4[%run_scoped3A, %mul3A_2] : memref<2x320000xi32, #tpu.memory_space<hbm>> -> memref<1x10000xi32, #tpu.memory_space<hbm>>
      %dma_wait3A_318 = tpu.memref_squeeze %dma_wait3A_317 : memref<1x10000xi32, #tpu.memory_space<hbm>> -> memref<10000xi32, #tpu.memory_space<hbm>>
      tpu.wait_dma2 semaphore(%run_scoped3A_310 : memref<!tpu.dma_semaphore, #tpu.memory_space<semaphore_mem>>) src(%dma_wait3A_318 : memref<10000xi32, #tpu.memory_space<hbm>>) dst(%arg7 : memref<10000xi32, #tpu.memory_space<vmem>>)
      tpu.yield
    }) : () -> ()
    %mul3A_3 = arith.constant 10000 : i32
    %mul3A_4 = arith.muli %add3A, %mul3A_3 : i32
    %run_scoped3A_5 = arith.constant 1 : i32
    "tpu.region"() ({
      %run_scoped3A_310 = tpu.sem_alloc : memref<!tpu.dma_semaphore, #tpu.memory_space<semaphore_mem>>
      %dma_start3A_311 = tpu.memref_slice %arg4[%run_scoped3A_5, %mul3A_4] : memref<2x320000xi32, #tpu.memory_space<hbm>> -> memref<1x10000xi32, #tpu.memory_space<hbm>>
      %dma_start3A_312 = tpu.memref_squeeze %dma_start3A_311 : memref<1x10000xi32, #tpu.memory_space<hbm>> -> memref<10000xi32, #tpu.memory_space<hbm>>
      %dma_start3A_313 = tpu.memref_slice %arg4[%run_scoped3A_5, %mul3A_4] : memref<2x320000xi32, #tpu.memory_space<hbm>> -> memref<1x10000xi32, #tpu.memory_space<hbm>>
      %dma_start3A_314 = tpu.memref_squeeze %dma_start3A_313 : memref<1x10000xi32, #tpu.memory_space<hbm>> -> memref<10000xi32, #tpu.memory_space<hbm>>
      tpu.enqueue_dma source(%dma_start3A_314 : memref<10000xi32, #tpu.memory_space<hbm>>) target(%arg8 : memref<10000xi32, #tpu.memory_space<vmem>>) target_semaphore(%run_scoped3A_310 : memref<!tpu.dma_semaphore, #tpu.memory_space<semaphore_mem>>)
      %dma_wait3A_315 = tpu.memref_slice %arg4[%run_scoped3A_5, %mul3A_4] : memref<2x320000xi32, #tpu.memory_space<hbm>> -> memref<1x10000xi32, #tpu.memory_space<hbm>>
      %dma_wait3A_316 = tpu.memref_squeeze %dma_wait3A_315 : memref<1x10000xi32, #tpu.memory_space<hbm>> -> memref<10000xi32, #tpu.memory_space<hbm>>
      %dma_wait3A_317 = tpu.memref_slice %arg4[%run_scoped3A_5, %mul3A_4] : memref<2x320000xi32, #tpu.memory_space<hbm>> -> memref<1x10000xi32, #tpu.memory_space<hbm>>
      %dma_wait3A_318 = tpu.memref_squeeze %dma_wait3A_317 : memref<1x10000xi32, #tpu.memory_space<hbm>> -> memref<10000xi32, #tpu.memory_space<hbm>>
      tpu.wait_dma2 semaphore(%run_scoped3A_310 : memref<!tpu.dma_semaphore, #tpu.memory_space<semaphore_mem>>) src(%dma_wait3A_318 : memref<10000xi32, #tpu.memory_space<hbm>>) dst(%arg8 : memref<10000xi32, #tpu.memory_space<vmem>>)
      tpu.yield
    }) : () -> ()
    %scan3A = arith.constant 0 : i32
    %scan3A_6 = arith.constant 0 : i32
    %scan3A_7 = arith.constant 128 : i32
    %scan3A_8 = arith.addi %scan3A_6, %scan3A_7 : i32
    %scan3A_9 = arith.constant 1 : i32
    %scan3A_10 = scf.for %scan3A_310 = %scan3A_6 to %scan3A_8 step %scan3A_9 iter_args(%scan3A_311 = %scan3A) -> (i32)  : i32 {
      %broadcast_in_dim3A = arith.constant 0.000000e+00 : f32
      %broadcast_in_dim3A_312 = vector.broadcast %broadcast_in_dim3A : f32 to vector<16xf32>
      %swap3A = arith.index_cast %scan3A_310 : i32 to index
      %swap3A_313 = arith.constant 0 : index
      %swap3A_314 = tpu.vector_load %arg14[%swap3A, %swap3A_313] {strides = array<i32>} : memref<128x64xf32, #tpu.memory_space<vmem>>, vector<1x16xf32>,
      %swap3A_315 = vector.shape_cast %swap3A_314 : vector<1x16xf32> to vector<16xf32>
      %swap3A_316 = vector.shape_cast %broadcast_in_dim3A_312 : vector<16xf32> to vector<1x16xf32>
      tpu.vector_store %arg14[%swap3A, %swap3A_313], %swap3A_316 {strides = array<i32>} : memref<128x64xf32, #tpu.memory_space<vmem>>, vector<1x16xf32>,
      %broadcast_in_dim3A_317 = arith.constant 0.000000e+00 : f32
      %broadcast_in_dim3A_318 = vector.broadcast %broadcast_in_dim3A_317 : f32 to vector<16xf32>
      %swap3A_319 = arith.index_cast %scan3A_310 : i32 to index
      %swap3A_320 = arith.constant 16 : index
      %swap3A_321 = tpu.vector_load %arg14[%swap3A_319, %swap3A_320] {strides = array<i32>} : memref<128x64xf32, #tpu.memory_space<vmem>>, vector<1x16xf32>,
      %swap3A_322 = vector.shape_cast %swap3A_321 : vector<1x16xf32> to vector<16xf32>
      %swap3A_323 = vector.shape_cast %broadcast_in_dim3A_318 : vector<16xf32> to vector<1x16xf32>
      tpu.vector_store %arg14[%swap3A_319, %swap3A_320], %swap3A_323 {strides = array<i32>} : memref<128x64xf32, #tpu.memory_space<vmem>>, vector<1x16xf32>,
      %broadcast_in_dim3A_324 = arith.constant 0.000000e+00 : f32
      %broadcast_in_dim3A_325 = vector.broadcast %broadcast_in_dim3A_324 : f32 to vector<16xf32>
      %swap3A_326 = arith.index_cast %scan3A_310 : i32 to index
      %swap3A_327 = arith.constant 32 : index
      %swap3A_328 = tpu.vector_load %arg14[%swap3A_326, %swap3A_327] {strides = array<i32>} : memref<128x64xf32, #tpu.memory_space<vmem>>, vector<1x16xf32>,
      %swap3A_329 = vector.shape_cast %swap3A_328 : vector<1x16xf32> to vector<16xf32>
      %swap3A_330 = vector.shape_cast %broadcast_in_dim3A_325 : vector<16xf32> to vector<1x16xf32>
      tpu.vector_store %arg14[%swap3A_326, %swap3A_327], %swap3A_330 {strides = array<i32>} : memref<128x64xf32, #tpu.memory_space<vmem>>, vector<1x16xf32>,
      %broadcast_in_dim3A_331 = arith.constant 0.000000e+00 : f32
      %broadcast_in_dim3A_332 = vector.broadcast %broadcast_in_dim3A_331 : f32 to vector<16xf32>
      %swap3A_333 = arith.index_cast %scan3A_310 : i32 to index
      %swap3A_334 = arith.constant 48 : index
      %swap3A_335 = tpu.vector_load %arg14[%swap3A_333, %swap3A_334] {strides = array<i32>} : memref<128x64xf32, #tpu.memory_space<vmem>>, vector<1x16xf32>,
      %swap3A_336 = vector.shape_cast %swap3A_335 : vector<1x16xf32> to vector<16xf32>
      %swap3A_337 = vector.shape_cast %broadcast_in_dim3A_332 : vector<16xf32> to vector<1x16xf32>
      tpu.vector_store %arg14[%swap3A_333, %swap3A_334], %swap3A_337 {strides = array<i32>} : memref<128x64xf32, #tpu.memory_space<vmem>>, vector<1x16xf32>,
      %scan3A_338 = arith.constant 0 : i32
      scf.yield %scan3A_338 : i32
    }
    %scan3A_11 = arith.constant 128 : i32
    %mul3A_12 = arith.constant 640 : i32
    %mul3A_13 = arith.muli %arg1, %mul3A_12 : i32
    %add3A_14 = arith.constant 0 : i32
    %add3A_15 = arith.addi %mul3A_13, %add3A_14 : i32
    "tpu.region"() ({
      %run_scoped3A_310 = tpu.sem_alloc : memref<!tpu.dma_semaphore, #tpu.memory_space<semaphore_mem>>
      %dma_start3A_311 = arith.constant 0 : i32
      %dma_start3A_312 = tpu.memref_slice %arg15[%add3A_15, %dma_start3A_311] : memref<10240x64xf32, #tpu.memory_space<vmem_shared>> -> memref<128x64xf32, #tpu.memory_space<vmem_shared>>
      %dma_start3A_313 = arith.constant 0 : i32
      %dma_start3A_314 = tpu.memref_slice %arg15[%add3A_15, %dma_start3A_313] : memref<10240x64xf32, #tpu.memory_space<vmem_shared>> -> memref<128x64xf32, #tpu.memory_space<vmem_shared>>
      tpu.enqueue_dma source(%arg14 : memref<128x64xf32, #tpu.memory_space<vmem>>) target(%dma_start3A_314 : memref<128x64xf32, #tpu.memory_space<vmem_shared>>) target_semaphore(%run_scoped3A_310 : memref<!tpu.dma_semaphore, #tpu.memory_space<semaphore_mem>>)
      %dma_wait3A_315 = arith.constant 0 : i32
      %dma_wait3A_316 = tpu.memref_slice %arg15[%add3A_15, %dma_wait3A_315] : memref<10240x64xf32, #tpu.memory_space<vmem_shared>> -> memref<128x64xf32, #tpu.memory_space<vmem_shared>>
      %dma_wait3A_317 = arith.constant 0 : i32
      %dma_wait3A_318 = tpu.memref_slice %arg15[%add3A_15, %dma_wait3A_317] : memref<10240x64xf32, #tpu.memory_space<vmem_shared>> -> memref<128x64xf32, #tpu.memory_space<vmem_shared>>
      tpu.wait_dma2 semaphore(%run_scoped3A_310 : memref<!tpu.dma_semaphore, #tpu.memory_space<semaphore_mem>>) src(%arg14 : memref<128x64xf32, #tpu.memory_space<vmem>>) dst(%dma_wait3A_318 : memref<128x64xf32, #tpu.memory_space<vmem_shared>>)
      tpu.yield
    }) : () -> ()
    %mul3A_16 = arith.constant 640 : i32
    %mul3A_17 = arith.muli %arg1, %mul3A_16 : i32
    %add3A_18 = arith.constant 128 : i32
    %add3A_19 = arith.addi %mul3A_17, %add3A_18 : i32
    "tpu.region"() ({
      %run_scoped3A_310 = tpu.sem_alloc : memref<!tpu.dma_semaphore, #tpu.memory_space<semaphore_mem>>
      %dma_start3A_311 = arith.constant 0 : i32
      %dma_start3A_312 = tpu.memref_slice %arg15[%add3A_19, %dma_start3A_311] : memref<10240x64xf32, #tpu.memory_space<vmem_shared>> -> memref<128x64xf32, #tpu.memory_space<vmem_shared>>
      %dma_start3A_313 = arith.constant 0 : i32
      %dma_start3A_314 = tpu.memref_slice %arg15[%add3A_19, %dma_start3A_313] : memref<10240x64xf32, #tpu.memory_space<vmem_shared>> -> memref<128x64xf32, #tpu.memory_space<vmem_shared>>
      tpu.enqueue_dma source(%arg14 : memref<128x64xf32, #tpu.memory_space<vmem>>) target(%dma_start3A_314 : memref<128x64xf32, #tpu.memory_space<vmem_shared>>) target_semaphore(%run_scoped3A_310 : memref<!tpu.dma_semaphore, #tpu.memory_space<semaphore_mem>>)
      %dma_wait3A_315 = arith.constant 0 : i32
      %dma_wait3A_316 = tpu.memref_slice %arg15[%add3A_19, %dma_wait3A_315] : memref<10240x64xf32, #tpu.memory_space<vmem_shared>> -> memref<128x64xf32, #tpu.memory_space<vmem_shared>>
      %dma_wait3A_317 = arith.constant 0 : i32
      %dma_wait3A_318 = tpu.memref_slice %arg15[%add3A_19, %dma_wait3A_317] : memref<10240x64xf32, #tpu.memory_space<vmem_shared>> -> memref<128x64xf32, #tpu.memory_space<vmem_shared>>
      tpu.wait_dma2 semaphore(%run_scoped3A_310 : memref<!tpu.dma_semaphore, #tpu.memory_space<semaphore_mem>>) src(%arg14 : memref<128x64xf32, #tpu.memory_space<vmem>>) dst(%dma_wait3A_318 : memref<128x64xf32, #tpu.memory_space<vmem_shared>>)
      tpu.yield
    }) : () -> ()
    %mul3A_20 = arith.constant 640 : i32
    %mul3A_21 = arith.muli %arg1, %mul3A_20 : i32
    %add3A_22 = arith.constant 256 : i32
    %add3A_23 = arith.addi %mul3A_21, %add3A_22 : i32
    "tpu.region"() ({
      %run_scoped3A_310 = tpu.sem_alloc : memref<!tpu.dma_semaphore, #tpu.memory_space<semaphore_mem>>
      %dma_start3A_311 = arith.constant 0 : i32
      %dma_start3A_312 = tpu.memref_slice %arg15[%add3A_23, %dma_start3A_311] : memref<10240x64xf32, #tpu.memory_space<vmem_shared>> -> memref<128x64xf32, #tpu.memory_space<vmem_shared>>
      %dma_start3A_313 = arith.constant 0 : i32
      %dma_start3A_314 = tpu.memref_slice %arg15[%add3A_23, %dma_start3A_313] : memref<10240x64xf32, #tpu.memory_space<vmem_shared>> -> memref<128x64xf32, #tpu.memory_space<vmem_shared>>
      tpu.enqueue_dma source(%arg14 : memref<128x64xf32, #tpu.memory_space<vmem>>) target(%dma_start3A_314 : memref<128x64xf32, #tpu.memory_space<vmem_shared>>) target_semaphore(%run_scoped3A_310 : memref<!tpu.dma_semaphore, #tpu.memory_space<semaphore_mem>>)
      %dma_wait3A_315 = arith.constant 0 : i32
      %dma_wait3A_316 = tpu.memref_slice %arg15[%add3A_23, %dma_wait3A_315] : memref<10240x64xf32, #tpu.memory_space<vmem_shared>> -> memref<128x64xf32, #tpu.memory_space<vmem_shared>>
      %dma_wait3A_317 = arith.constant 0 : i32
      %dma_wait3A_318 = tpu.memref_slice %arg15[%add3A_23, %dma_wait3A_317] : memref<10240x64xf32, #tpu.memory_space<vmem_shared>> -> memref<128x64xf32, #tpu.memory_space<vmem_shared>>
      tpu.wait_dma2 semaphore(%run_scoped3A_310 : memref<!tpu.dma_semaphore, #tpu.memory_space<semaphore_mem>>) src(%arg14 : memref<128x64xf32, #tpu.memory_space<vmem>>) dst(%dma_wait3A_318 : memref<128x64xf32, #tpu.memory_space<vmem_shared>>)
      tpu.yield
    }) : () -> ()
    %mul3A_24 = arith.constant 640 : i32
    %mul3A_25 = arith.muli %arg1, %mul3A_24 : i32
    %add3A_26 = arith.constant 384 : i32
    %add3A_27 = arith.addi %mul3A_25, %add3A_26 : i32
    "tpu.region"() ({
      %run_scoped3A_310 = tpu.sem_alloc : memref<!tpu.dma_semaphore, #tpu.memory_space<semaphore_mem>>
      %dma_start3A_311 = arith.constant 0 : i32
      %dma_start3A_312 = tpu.memref_slice %arg15[%add3A_27, %dma_start3A_311] : memref<10240x64xf32, #tpu.memory_space<vmem_shared>> -> memref<128x64xf32, #tpu.memory_space<vmem_shared>>
      %dma_start3A_313 = arith.constant 0 : i32
      %dma_start3A_314 = tpu.memref_slice %arg15[%add3A_27, %dma_start3A_313] : memref<10240x64xf32, #tpu.memory_space<vmem_shared>> -> memref<128x64xf32, #tpu.memory_space<vmem_shared>>
      tpu.enqueue_dma source(%arg14 : memref<128x64xf32, #tpu.memory_space<vmem>>) target(%dma_start3A_314 : memref<128x64xf32, #tpu.memory_space<vmem_shared>>) target_semaphore(%run_scoped3A_310 : memref<!tpu.dma_semaphore, #tpu.memory_space<semaphore_mem>>)
      %dma_wait3A_315 = arith.constant 0 : i32
      %dma_wait3A_316 = tpu.memref_slice %arg15[%add3A_27, %dma_wait3A_315] : memref<10240x64xf32, #tpu.memory_space<vmem_shared>> -> memref<128x64xf32, #tpu.memory_space<vmem_shared>>
      %dma_wait3A_317 = arith.constant 0 : i32
      %dma_wait3A_318 = tpu.memref_slice %arg15[%add3A_27, %dma_wait3A_317] : memref<10240x64xf32, #tpu.memory_space<vmem_shared>> -> memref<128x64xf32, #tpu.memory_space<vmem_shared>>
      tpu.wait_dma2 semaphore(%run_scoped3A_310 : memref<!tpu.dma_semaphore, #tpu.memory_space<semaphore_mem>>) src(%arg14 : memref<128x64xf32, #tpu.memory_space<vmem>>) dst(%dma_wait3A_318 : memref<128x64xf32, #tpu.memory_space<vmem_shared>>)
      tpu.yield
    }) : () -> ()
    %mul3A_28 = arith.constant 640 : i32
    %mul3A_29 = arith.muli %arg1, %mul3A_28 : i32
    %add3A_30 = arith.constant 512 : i32
    %add3A_31 = arith.addi %mul3A_29, %add3A_30 : i32
    "tpu.region"() ({
      %run_scoped3A_310 = tpu.sem_alloc : memref<!tpu.dma_semaphore, #tpu.memory_space<semaphore_mem>>
      %dma_start3A_311 = arith.constant 0 : i32
      %dma_start3A_312 = tpu.memref_slice %arg15[%add3A_31, %dma_start3A_311] : memref<10240x64xf32, #tpu.memory_space<vmem_shared>> -> memref<128x64xf32, #tpu.memory_space<vmem_shared>>
      %dma_start3A_313 = arith.constant 0 : i32
      %dma_start3A_314 = tpu.memref_slice %arg15[%add3A_31, %dma_start3A_313] : memref<10240x64xf32, #tpu.memory_space<vmem_shared>> -> memref<128x64xf32, #tpu.memory_space<vmem_shared>>
      tpu.enqueue_dma source(%arg14 : memref<128x64xf32, #tpu.memory_space<vmem>>) target(%dma_start3A_314 : memref<128x64xf32, #tpu.memory_space<vmem_shared>>) target_semaphore(%run_scoped3A_310 : memref<!tpu.dma_semaphore, #tpu.memory_space<semaphore_mem>>)
      %dma_wait3A_315 = arith.constant 0 : i32
      %dma_wait3A_316 = tpu.memref_slice %arg15[%add3A_31, %dma_wait3A_315] : memref<10240x64xf32, #tpu.memory_space<vmem_shared>> -> memref<128x64xf32, #tpu.memory_space<vmem_shared>>
      %dma_wait3A_317 = arith.constant 0 : i32
      %dma_wait3A_318 = tpu.memref_slice %arg15[%add3A_31, %dma_wait3A_317] : memref<10240x64xf32, #tpu.memory_space<vmem_shared>> -> memref<128x64xf32, #tpu.memory_space<vmem_shared>>
      tpu.wait_dma2 semaphore(%run_scoped3A_310 : memref<!tpu.dma_semaphore, #tpu.memory_space<semaphore_mem>>) src(%arg14 : memref<128x64xf32, #tpu.memory_space<vmem>>) dst(%dma_wait3A_318 : memref<128x64xf32, #tpu.memory_space<vmem_shared>>)
      tpu.yield
    }) : () -> ()
    %barrier3A = arith.constant 0 : index
    tpu.barrier barrier_id(%barrier3A)
    %multiple_of3A = arith.constant 0 : i32
    %multiple_of3A_32 = tpu.assume_multiple %multiple_of3A, 80 : i32
    %dma_start3A = tpu.memref_slice %arg7[%multiple_of3A_32] : memref<10000xi32, #tpu.memory_space<vmem>> -> memref<80xi32, #tpu.memory_space<vmem>>
    %dma_start3A_33 = arith.constant 0 : i32
    %dma_start3A_34 = arith.constant 0 : i32
    %dma_start3A_35 = tpu.memref_slice %arg2[%dma_start3A_33, %dma_start3A_34] : memref<10000x64xf32, #tpu.memory_space<hbm>> -> memref<10000x64xf32, #tpu.memory_space<hbm>>
    tpu.enqueue_indirect_dma source(%dma_start3A_35 : memref<10000x64xf32, #tpu.memory_space<hbm>>) target(%arg9 : memref<80x64xf32, #tpu.memory_space<vmem>>) offsets(%dma_start3A : memref<80xi32, #tpu.memory_space<vmem>>) semaphore(%arg16 : memref<!tpu.dma_semaphore, #tpu.memory_space<semaphore_mem>>)
    %multiple_of3A_36 = arith.constant 80 : i32
    %multiple_of3A_37 = tpu.assume_multiple %multiple_of3A_36, 80 : i32
    %dma_start3A_38 = tpu.memref_slice %arg7[%multiple_of3A_37] : memref<10000xi32, #tpu.memory_space<vmem>> -> memref<80xi32, #tpu.memory_space<vmem>>
    %dma_start3A_39 = arith.constant 0 : i32
    %dma_start3A_40 = arith.constant 0 : i32
    %dma_start3A_41 = tpu.memref_slice %arg2[%dma_start3A_39, %dma_start3A_40] : memref<10000x64xf32, #tpu.memory_space<hbm>> -> memref<10000x64xf32, #tpu.memory_space<hbm>>
    tpu.enqueue_indirect_dma source(%dma_start3A_41 : memref<10000x64xf32, #tpu.memory_space<hbm>>) target(%arg10 : memref<80x64xf32, #tpu.memory_space<vmem>>) offsets(%dma_start3A_38 : memref<80xi32, #tpu.memory_space<vmem>>) semaphore(%arg17 : memref<!tpu.dma_semaphore, #tpu.memory_space<semaphore_mem>>)
    %multiple_of3A_42 = arith.constant 160 : i32
    %multiple_of3A_43 = tpu.assume_multiple %multiple_of3A_42, 80 : i32
    %dma_start3A_44 = tpu.memref_slice %arg7[%multiple_of3A_43] : memref<10000xi32, #tpu.memory_space<vmem>> -> memref<80xi32, #tpu.memory_space<vmem>>
    %dma_start3A_45 = arith.constant 0 : i32
    %dma_start3A_46 = arith.constant 0 : i32
    %dma_start3A_47 = tpu.memref_slice %arg2[%dma_start3A_45, %dma_start3A_46] : memref<10000x64xf32, #tpu.memory_space<hbm>> -> memref<10000x64xf32, #tpu.memory_space<hbm>>
    tpu.enqueue_indirect_dma source(%dma_start3A_47 : memref<10000x64xf32, #tpu.memory_space<hbm>>) target(%arg11 : memref<80x64xf32, #tpu.memory_space<vmem>>) offsets(%dma_start3A_44 : memref<80xi32, #tpu.memory_space<vmem>>) semaphore(%arg18 : memref<!tpu.dma_semaphore, #tpu.memory_space<semaphore_mem>>)
    %multiple_of3A_48 = arith.constant 240 : i32
    %multiple_of3A_49 = tpu.assume_multiple %multiple_of3A_48, 80 : i32
    %dma_start3A_50 = tpu.memref_slice %arg7[%multiple_of3A_49] : memref<10000xi32, #tpu.memory_space<vmem>> -> memref<80xi32, #tpu.memory_space<vmem>>
    %dma_start3A_51 = arith.constant 0 : i32
    %dma_start3A_52 = arith.constant 0 : i32
    %dma_start3A_53 = tpu.memref_slice %arg2[%dma_start3A_51, %dma_start3A_52] : memref<10000x64xf32, #tpu.memory_space<hbm>> -> memref<10000x64xf32, #tpu.memory_space<hbm>>
    tpu.enqueue_indirect_dma source(%dma_start3A_53 : memref<10000x64xf32, #tpu.memory_space<hbm>>) target(%arg12 : memref<80x64xf32, #tpu.memory_space<vmem>>) offsets(%dma_start3A_50 : memref<80xi32, #tpu.memory_space<vmem>>) semaphore(%arg19 : memref<!tpu.dma_semaphore, #tpu.memory_space<semaphore_mem>>)
    %multiple_of3A_54 = arith.constant 320 : i32
    %multiple_of3A_55 = tpu.assume_multiple %multiple_of3A_54, 80 : i32
    %dma_start3A_56 = tpu.memref_slice %arg7[%multiple_of3A_55] : memref<10000xi32, #tpu.memory_space<vmem>> -> memref<80xi32, #tpu.memory_space<vmem>>
    %dma_start3A_57 = arith.constant 0 : i32
    %dma_start3A_58 = arith.constant 0 : i32
    %dma_start3A_59 = tpu.memref_slice %arg2[%dma_start3A_57, %dma_start3A_58] : memref<10000x64xf32, #tpu.memory_space<hbm>> -> memref<10000x64xf32, #tpu.memory_space<hbm>>
    tpu.enqueue_indirect_dma source(%dma_start3A_59 : memref<10000x64xf32, #tpu.memory_space<hbm>>) target(%arg13 : memref<80x64xf32, #tpu.memory_space<vmem>>) offsets(%dma_start3A_56 : memref<80xi32, #tpu.memory_space<vmem>>) semaphore(%arg20 : memref<!tpu.dma_semaphore, #tpu.memory_space<semaphore_mem>>)
    %scan3A_60 = arith.constant 0 : i32
    %scan3A_61 = arith.constant 0 : i32
    %scan3A_62 = arith.constant 24 : i32
    %scan3A_63 = arith.addi %scan3A_61, %scan3A_62 : i32
    %scan3A_64 = arith.constant 1 : i32
    %scan3A_65 = scf.for %scan3A_310 = %scan3A_61 to %scan3A_63 step %scan3A_64 iter_args(%scan3A_311 = %scan3A_60) -> (i32)  : i32 {
      %mul3A_312 = arith.constant 5 : i32
      %mul3A_313 = arith.muli %mul3A_312, %scan3A_310 : i32
      %add3A_314 = arith.constant 0 : i32
      %add3A_315 = arith.addi %mul3A_313, %add3A_314 : i32
      %mul3A_316 = arith.constant 80 : i32
      %mul3A_317 = arith.muli %add3A_315, %mul3A_316 : i32
      %multiple_of3A_318 = tpu.assume_multiple %mul3A_317, 80 : i32
      %dma_wait3A_319 = tpu.memref_slice %arg7[%multiple_of3A_318] : memref<10000xi32, #tpu.memory_space<vmem>> -> memref<80xi32, #tpu.memory_space<vmem>>
      %dma_wait3A_320 = arith.constant 0 : i32
      %dma_wait3A_321 = arith.constant 0 : i32
      %dma_wait3A_322 = tpu.memref_slice %arg2[%dma_wait3A_320, %dma_wait3A_321] : memref<10000x64xf32, #tpu.memory_space<hbm>> -> memref<10000x64xf32, #tpu.memory_space<hbm>>
      tpu.wait_indirect_dma semaphore(%arg16 : memref<!tpu.dma_semaphore, #tpu.memory_space<semaphore_mem>>) src(%dma_wait3A_322 : memref<10000x64xf32, #tpu.memory_space<hbm>>) dst(%arg9 : memref<80x64xf32, #tpu.memory_space<vmem>>)
      %mul3A_323 = arith.constant 80 : i32
      %mul3A_324 = arith.muli %add3A_315, %mul3A_323 : i32
      %multiple_of3A_325 = tpu.assume_multiple %mul3A_324, 80 : i32
      %dma_start3A_326 = tpu.memref_slice %arg8[%multiple_of3A_325] : memref<10000xi32, #tpu.memory_space<vmem>> -> memref<80xi32, #tpu.memory_space<vmem>>
      %dma_start3A_327 = arith.constant 0 : i32
      %dma_start3A_328 = arith.constant 0 : i32
      %dma_start3A_329 = tpu.memref_slice %arg15[%dma_start3A_327, %dma_start3A_328] : memref<10240x64xf32, #tpu.memory_space<vmem_shared>> -> memref<10240x64xf32, #tpu.memory_space<vmem_shared>>
      tpu.enqueue_indirect_dma source(%arg9 : memref<80x64xf32, #tpu.memory_space<vmem>>) target(%dma_start3A_329 : memref<10240x64xf32, #tpu.memory_space<vmem_shared>>) offsets(%dma_start3A_326 : memref<80xi32, #tpu.memory_space<vmem>>) semaphore(%arg21 : memref<!tpu.dma_semaphore, #tpu.memory_space<semaphore_mem>>) {add = true}
      %mul3A_330 = arith.constant 5 : i32
      %mul3A_331 = arith.muli %mul3A_330, %scan3A_310 : i32
      %add3A_332 = arith.constant 1 : i32
      %add3A_333 = arith.addi %mul3A_331, %add3A_332 : i32
      %mul3A_334 = arith.constant 80 : i32
      %mul3A_335 = arith.muli %add3A_333, %mul3A_334 : i32
      %multiple_of3A_336 = tpu.assume_multiple %mul3A_335, 80 : i32
      %dma_wait3A_337 = tpu.memref_slice %arg7[%multiple_of3A_336] : memref<10000xi32, #tpu.memory_space<vmem>> -> memref<80xi32, #tpu.memory_space<vmem>>
      %dma_wait3A_338 = arith.constant 0 : i32
      %dma_wait3A_339 = arith.constant 0 : i32
      %dma_wait3A_340 = tpu.memref_slice %arg2[%dma_wait3A_338, %dma_wait3A_339] : memref<10000x64xf32, #tpu.memory_space<hbm>> -> memref<10000x64xf32, #tpu.memory_space<hbm>>
      tpu.wait_indirect_dma semaphore(%arg17 : memref<!tpu.dma_semaphore, #tpu.memory_space<semaphore_mem>>) src(%dma_wait3A_340 : memref<10000x64xf32, #tpu.memory_space<hbm>>) dst(%arg10 : memref<80x64xf32, #tpu.memory_space<vmem>>)
      %mul3A_341 = arith.constant 80 : i32
      %mul3A_342 = arith.muli %add3A_333, %mul3A_341 : i32
      %multiple_of3A_343 = tpu.assume_multiple %mul3A_342, 80 : i32
      %dma_start3A_344 = tpu.memref_slice %arg8[%multiple_of3A_343] : memref<10000xi32, #tpu.memory_space<vmem>> -> memref<80xi32, #tpu.memory_space<vmem>>
      %dma_start3A_345 = arith.constant 0 : i32
      %dma_start3A_346 = arith.constant 0 : i32
      %dma_start3A_347 = tpu.memref_slice %arg15[%dma_start3A_345, %dma_start3A_346] : memref<10240x64xf32, #tpu.memory_space<vmem_shared>> -> memref<10240x64xf32, #tpu.memory_space<vmem_shared>>
      tpu.enqueue_indirect_dma source(%arg10 : memref<80x64xf32, #tpu.memory_space<vmem>>) target(%dma_start3A_347 : memref<10240x64xf32, #tpu.memory_space<vmem_shared>>) offsets(%dma_start3A_344 : memref<80xi32, #tpu.memory_space<vmem>>) semaphore(%arg22 : memref<!tpu.dma_semaphore, #tpu.memory_space<semaphore_mem>>) {add = true}
      %mul3A_348 = arith.constant 5 : i32
      %mul3A_349 = arith.muli %mul3A_348, %scan3A_310 : i32
      %add3A_350 = arith.constant 2 : i32
      %add3A_351 = arith.addi %mul3A_349, %add3A_350 : i32
      %mul3A_352 = arith.constant 80 : i32
      %mul3A_353 = arith.muli %add3A_351, %mul3A_352 : i32
      %multiple_of3A_354 = tpu.assume_multiple %mul3A_353, 80 : i32
      %dma_wait3A_355 = tpu.memref_slice %arg7[%multiple_of3A_354] : memref<10000xi32, #tpu.memory_space<vmem>> -> memref<80xi32, #tpu.memory_space<vmem>>
      %dma_wait3A_356 = arith.constant 0 : i32
      %dma_wait3A_357 = arith.constant 0 : i32
      %dma_wait3A_358 = tpu.memref_slice %arg2[%dma_wait3A_356, %dma_wait3A_357] : memref<10000x64xf32, #tpu.memory_space<hbm>> -> memref<10000x64xf32, #tpu.memory_space<hbm>>
      tpu.wait_indirect_dma semaphore(%arg18 : memref<!tpu.dma_semaphore, #tpu.memory_space<semaphore_mem>>) src(%dma_wait3A_358 : memref<10000x64xf32, #tpu.memory_space<hbm>>) dst(%arg11 : memref<80x64xf32, #tpu.memory_space<vmem>>)
      %mul3A_359 = arith.constant 80 : i32
      %mul3A_360 = arith.muli %add3A_351, %mul3A_359 : i32
      %multiple_of3A_361 = tpu.assume_multiple %mul3A_360, 80 : i32
      %dma_start3A_362 = tpu.memref_slice %arg8[%multiple_of3A_361] : memref<10000xi32, #tpu.memory_space<vmem>> -> memref<80xi32, #tpu.memory_space<vmem>>
      %dma_start3A_363 = arith.constant 0 : i32
      %dma_start3A_364 = arith.constant 0 : i32
      %dma_start3A_365 = tpu.memref_slice %arg15[%dma_start3A_363, %dma_start3A_364] : memref<10240x64xf32, #tpu.memory_space<vmem_shared>> -> memref<10240x64xf32, #tpu.memory_space<vmem_shared>>
      tpu.enqueue_indirect_dma source(%arg11 : memref<80x64xf32, #tpu.memory_space<vmem>>) target(%dma_start3A_365 : memref<10240x64xf32, #tpu.memory_space<vmem_shared>>) offsets(%dma_start3A_362 : memref<80xi32, #tpu.memory_space<vmem>>) semaphore(%arg23 : memref<!tpu.dma_semaphore, #tpu.memory_space<semaphore_mem>>) {add = true}
      %mul3A_366 = arith.constant 5 : i32
      %mul3A_367 = arith.muli %mul3A_366, %scan3A_310 : i32
      %add3A_368 = arith.constant 3 : i32
      %add3A_369 = arith.addi %mul3A_367, %add3A_368 : i32
      %mul3A_370 = arith.constant 80 : i32
      %mul3A_371 = arith.muli %add3A_369, %mul3A_370 : i32
      %multiple_of3A_372 = tpu.assume_multiple %mul3A_371, 80 : i32
      %dma_wait3A_373 = tpu.memref_slice %arg7[%multiple_of3A_372] : memref<10000xi32, #tpu.memory_space<vmem>> -> memref<80xi32, #tpu.memory_space<vmem>>
      %dma_wait3A_374 = arith.constant 0 : i32
      %dma_wait3A_375 = arith.constant 0 : i32
      %dma_wait3A_376 = tpu.memref_slice %arg2[%dma_wait3A_374, %dma_wait3A_375] : memref<10000x64xf32, #tpu.memory_space<hbm>> -> memref<10000x64xf32, #tpu.memory_space<hbm>>
      tpu.wait_indirect_dma semaphore(%arg19 : memref<!tpu.dma_semaphore, #tpu.memory_space<semaphore_mem>>) src(%dma_wait3A_376 : memref<10000x64xf32, #tpu.memory_space<hbm>>) dst(%arg12 : memref<80x64xf32, #tpu.memory_space<vmem>>)
      %mul3A_377 = arith.constant 80 : i32
      %mul3A_378 = arith.muli %add3A_369, %mul3A_377 : i32
      %multiple_of3A_379 = tpu.assume_multiple %mul3A_378, 80 : i32
      %dma_start3A_380 = tpu.memref_slice %arg8[%multiple_of3A_379] : memref<10000xi32, #tpu.memory_space<vmem>> -> memref<80xi32, #tpu.memory_space<vmem>>
      %dma_start3A_381 = arith.constant 0 : i32
      %dma_start3A_382 = arith.constant 0 : i32
      %dma_start3A_383 = tpu.memref_slice %arg15[%dma_start3A_381, %dma_start3A_382] : memref<10240x64xf32, #tpu.memory_space<vmem_shared>> -> memref<10240x64xf32, #tpu.memory_space<vmem_shared>>
      tpu.enqueue_indirect_dma source(%arg12 : memref<80x64xf32, #tpu.memory_space<vmem>>) target(%dma_start3A_383 : memref<10240x64xf32, #tpu.memory_space<vmem_shared>>) offsets(%dma_start3A_380 : memref<80xi32, #tpu.memory_space<vmem>>) semaphore(%arg24 : memref<!tpu.dma_semaphore, #tpu.memory_space<semaphore_mem>>) {add = true}
      %mul3A_384 = arith.constant 5 : i32
      %mul3A_385 = arith.muli %mul3A_384, %scan3A_310 : i32
      %add3A_386 = arith.constant 4 : i32
      %add3A_387 = arith.addi %mul3A_385, %add3A_386 : i32
      %mul3A_388 = arith.constant 80 : i32
      %mul3A_389 = arith.muli %add3A_387, %mul3A_388 : i32
      %multiple_of3A_390 = tpu.assume_multiple %mul3A_389, 80 : i32
      %dma_wait3A_391 = tpu.memref_slice %arg7[%multiple_of3A_390] : memref<10000xi32, #tpu.memory_space<vmem>> -> memref<80xi32, #tpu.memory_space<vmem>>
      %dma_wait3A_392 = arith.constant 0 : i32
      %dma_wait3A_393 = arith.constant 0 : i32
      %dma_wait3A_394 = tpu.memref_slice %arg2[%dma_wait3A_392, %dma_wait3A_393] : memref<10000x64xf32, #tpu.memory_space<hbm>> -> memref<10000x64xf32, #tpu.memory_space<hbm>>
      tpu.wait_indirect_dma semaphore(%arg20 : memref<!tpu.dma_semaphore, #tpu.memory_space<semaphore_mem>>) src(%dma_wait3A_394 : memref<10000x64xf32, #tpu.memory_space<hbm>>) dst(%arg13 : memref<80x64xf32, #tpu.memory_space<vmem>>)
      %mul3A_395 = arith.constant 80 : i32
      %mul3A_396 = arith.muli %add3A_387, %mul3A_395 : i32
      %multiple_of3A_397 = tpu.assume_multiple %mul3A_396, 80 : i32
      %dma_start3A_398 = tpu.memref_slice %arg8[%multiple_of3A_397] : memref<10000xi32, #tpu.memory_space<vmem>> -> memref<80xi32, #tpu.memory_space<vmem>>
      %dma_start3A_399 = arith.constant 0 : i32
      %dma_start3A_400 = arith.constant 0 : i32
      %dma_start3A_401 = tpu.memref_slice %arg15[%dma_start3A_399, %dma_start3A_400] : memref<10240x64xf32, #tpu.memory_space<vmem_shared>> -> memref<10240x64xf32, #tpu.memory_space<vmem_shared>>
      tpu.enqueue_indirect_dma source(%arg13 : memref<80x64xf32, #tpu.memory_space<vmem>>) target(%dma_start3A_401 : memref<10240x64xf32, #tpu.memory_space<vmem_shared>>) offsets(%dma_start3A_398 : memref<80xi32, #tpu.memory_space<vmem>>) semaphore(%arg25 : memref<!tpu.dma_semaphore, #tpu.memory_space<semaphore_mem>>) {add = true}
      %mul3A_402 = arith.constant 5 : i32
      %mul3A_403 = arith.muli %mul3A_402, %scan3A_310 : i32
      %add3A_404 = arith.constant 0 : i32
      %add3A_405 = arith.addi %mul3A_403, %add3A_404 : i32
      %multiple_of3A_406 = arith.constant 0 : i32
      %multiple_of3A_407 = tpu.assume_multiple %multiple_of3A_406, 80 : i32
      %dma_wait3A_408 = tpu.memref_slice %arg8[%multiple_of3A_407] : memref<10000xi32, #tpu.memory_space<vmem>> -> memref<80xi32, #tpu.memory_space<vmem>>
      %dma_wait3A_409 = arith.constant 0 : i32
      %dma_wait3A_410 = arith.constant 0 : i32
      %dma_wait3A_411 = tpu.memref_slice %arg15[%dma_wait3A_409, %dma_wait3A_410] : memref<10240x64xf32, #tpu.memory_space<vmem_shared>> -> memref<10240x64xf32, #tpu.memory_space<vmem_shared>>
      tpu.wait_indirect_dma semaphore(%arg21 : memref<!tpu.dma_semaphore, #tpu.memory_space<semaphore_mem>>) src(%arg9 : memref<80x64xf32, #tpu.memory_space<vmem>>) dst(%dma_wait3A_411 : memref<10240x64xf32, #tpu.memory_space<vmem_shared>>)
      %add3A_412 = arith.constant 5 : i32
      %add3A_413 = arith.addi %add3A_405, %add3A_412 : i32
      %mul3A_414 = arith.constant 80 : i32
      %mul3A_415 = arith.muli %add3A_413, %mul3A_414 : i32
      %multiple_of3A_416 = tpu.assume_multiple %mul3A_415, 80 : i32
      %dma_start3A_417 = tpu.memref_slice %arg7[%multiple_of3A_416] : memref<10000xi32, #tpu.memory_space<vmem>> -> memref<80xi32, #tpu.memory_space<vmem>>
      %dma_start3A_418 = arith.constant 0 : i32
      %dma_start3A_419 = arith.constant 0 : i32
      %dma_start3A_420 = tpu.memref_slice %arg2[%dma_start3A_418, %dma_start3A_419] : memref<10000x64xf32, #tpu.memory_space<hbm>> -> memref<10000x64xf32, #tpu.memory_space<hbm>>
      tpu.enqueue_indirect_dma source(%dma_start3A_420 : memref<10000x64xf32, #tpu.memory_space<hbm>>) target(%arg9 : memref<80x64xf32, #tpu.memory_space<vmem>>) offsets(%dma_start3A_417 : memref<80xi32, #tpu.memory_space<vmem>>) semaphore(%arg16 : memref<!tpu.dma_semaphore, #tpu.memory_space<semaphore_mem>>)
      %mul3A_421 = arith.constant 5 : i32
      %mul3A_422 = arith.muli %mul3A_421, %scan3A_310 : i32
      %add3A_423 = arith.constant 1 : i32
      %add3A_424 = arith.addi %mul3A_422, %add3A_423 : i32
      %multiple_of3A_425 = arith.constant 0 : i32
      %multiple_of3A_426 = tpu.assume_multiple %multiple_of3A_425, 80 : i32
      %dma_wait3A_427 = tpu.memref_slice %arg8[%multiple_of3A_426] : memref<10000xi32, #tpu.memory_space<vmem>> -> memref<80xi32, #tpu.memory_space<vmem>>
      %dma_wait3A_428 = arith.constant 0 : i32
      %dma_wait3A_429 = arith.constant 0 : i32
      %dma_wait3A_430 = tpu.memref_slice %arg15[%dma_wait3A_428, %dma_wait3A_429] : memref<10240x64xf32, #tpu.memory_space<vmem_shared>> -> memref<10240x64xf32, #tpu.memory_space<vmem_shared>>
      tpu.wait_indirect_dma semaphore(%arg22 : memref<!tpu.dma_semaphore, #tpu.memory_space<semaphore_mem>>) src(%arg10 : memref<80x64xf32, #tpu.memory_space<vmem>>) dst(%dma_wait3A_430 : memref<10240x64xf32, #tpu.memory_space<vmem_shared>>)
      %add3A_431 = arith.constant 5 : i32
      %add3A_432 = arith.addi %add3A_424, %add3A_431 : i32
      %mul3A_433 = arith.constant 80 : i32
      %mul3A_434 = arith.muli %add3A_432, %mul3A_433 : i32
      %multiple_of3A_435 = tpu.assume_multiple %mul3A_434, 80 : i32
      %dma_start3A_436 = tpu.memref_slice %arg7[%multiple_of3A_435] : memref<10000xi32, #tpu.memory_space<vmem>> -> memref<80xi32, #tpu.memory_space<vmem>>
      %dma_start3A_437 = arith.constant 0 : i32
      %dma_start3A_438 = arith.constant 0 : i32
      %dma_start3A_439 = tpu.memref_slice %arg2[%dma_start3A_437, %dma_start3A_438] : memref<10000x64xf32, #tpu.memory_space<hbm>> -> memref<10000x64xf32, #tpu.memory_space<hbm>>
      tpu.enqueue_indirect_dma source(%dma_start3A_439 : memref<10000x64xf32, #tpu.memory_space<hbm>>) target(%arg10 : memref<80x64xf32, #tpu.memory_space<vmem>>) offsets(%dma_start3A_436 : memref<80xi32, #tpu.memory_space<vmem>>) semaphore(%arg17 : memref<!tpu.dma_semaphore, #tpu.memory_space<semaphore_mem>>)
      %mul3A_440 = arith.constant 5 : i32
      %mul3A_441 = arith.muli %mul3A_440, %scan3A_310 : i32
      %add3A_442 = arith.constant 2 : i32
      %add3A_443 = arith.addi %mul3A_441, %add3A_442 : i32
      %multiple_of3A_444 = arith.constant 0 : i32
      %multiple_of3A_445 = tpu.assume_multiple %multiple_of3A_444, 80 : i32
      %dma_wait3A_446 = tpu.memref_slice %arg8[%multiple_of3A_445] : memref<10000xi32, #tpu.memory_space<vmem>> -> memref<80xi32, #tpu.memory_space<vmem>>
      %dma_wait3A_447 = arith.constant 0 : i32
      %dma_wait3A_448 = arith.constant 0 : i32
      %dma_wait3A_449 = tpu.memref_slice %arg15[%dma_wait3A_447, %dma_wait3A_448] : memref<10240x64xf32, #tpu.memory_space<vmem_shared>> -> memref<10240x64xf32, #tpu.memory_space<vmem_shared>>
      tpu.wait_indirect_dma semaphore(%arg23 : memref<!tpu.dma_semaphore, #tpu.memory_space<semaphore_mem>>) src(%arg11 : memref<80x64xf32, #tpu.memory_space<vmem>>) dst(%dma_wait3A_449 : memref<10240x64xf32, #tpu.memory_space<vmem_shared>>)
      %add3A_450 = arith.constant 5 : i32
      %add3A_451 = arith.addi %add3A_443, %add3A_450 : i32
      %mul3A_452 = arith.constant 80 : i32
      %mul3A_453 = arith.muli %add3A_451, %mul3A_452 : i32
      %multiple_of3A_454 = tpu.assume_multiple %mul3A_453, 80 : i32
      %dma_start3A_455 = tpu.memref_slice %arg7[%multiple_of3A_454] : memref<10000xi32, #tpu.memory_space<vmem>> -> memref<80xi32, #tpu.memory_space<vmem>>
      %dma_start3A_456 = arith.constant 0 : i32
      %dma_start3A_457 = arith.constant 0 : i32
      %dma_start3A_458 = tpu.memref_slice %arg2[%dma_start3A_456, %dma_start3A_457] : memref<10000x64xf32, #tpu.memory_space<hbm>> -> memref<10000x64xf32, #tpu.memory_space<hbm>>
      tpu.enqueue_indirect_dma source(%dma_start3A_458 : memref<10000x64xf32, #tpu.memory_space<hbm>>) target(%arg11 : memref<80x64xf32, #tpu.memory_space<vmem>>) offsets(%dma_start3A_455 : memref<80xi32, #tpu.memory_space<vmem>>) semaphore(%arg18 : memref<!tpu.dma_semaphore, #tpu.memory_space<semaphore_mem>>)
      %mul3A_459 = arith.constant 5 : i32
      %mul3A_460 = arith.muli %mul3A_459, %scan3A_310 : i32
      %add3A_461 = arith.constant 3 : i32
      %add3A_462 = arith.addi %mul3A_460, %add3A_461 : i32
      %multiple_of3A_463 = arith.constant 0 : i32
      %multiple_of3A_464 = tpu.assume_multiple %multiple_of3A_463, 80 : i32
      %dma_wait3A_465 = tpu.memref_slice %arg8[%multiple_of3A_464] : memref<10000xi32, #tpu.memory_space<vmem>> -> memref<80xi32, #tpu.memory_space<vmem>>
      %dma_wait3A_466 = arith.constant 0 : i32
      %dma_wait3A_467 = arith.constant 0 : i32
      %dma_wait3A_468 = tpu.memref_slice %arg15[%dma_wait3A_466, %dma_wait3A_467] : memref<10240x64xf32, #tpu.memory_space<vmem_shared>> -> memref<10240x64xf32, #tpu.memory_space<vmem_shared>>
      tpu.wait_indirect_dma semaphore(%arg24 : memref<!tpu.dma_semaphore, #tpu.memory_space<semaphore_mem>>) src(%arg12 : memref<80x64xf32, #tpu.memory_space<vmem>>) dst(%dma_wait3A_468 : memref<10240x64xf32, #tpu.memory_space<vmem_shared>>)
      %add3A_469 = arith.constant 5 : i32
      %add3A_470 = arith.addi %add3A_462, %add3A_469 : i32
      %mul3A_471 = arith.constant 80 : i32
      %mul3A_472 = arith.muli %add3A_470, %mul3A_471 : i32
      %multiple_of3A_473 = tpu.assume_multiple %mul3A_472, 80 : i32
      %dma_start3A_474 = tpu.memref_slice %arg7[%multiple_of3A_473] : memref<10000xi32, #tpu.memory_space<vmem>> -> memref<80xi32, #tpu.memory_space<vmem>>
      %dma_start3A_475 = arith.constant 0 : i32
      %dma_start3A_476 = arith.constant 0 : i32
      %dma_start3A_477 = tpu.memref_slice %arg2[%dma_start3A_475, %dma_start3A_476] : memref<10000x64xf32, #tpu.memory_space<hbm>> -> memref<10000x64xf32, #tpu.memory_space<hbm>>
      tpu.enqueue_indirect_dma source(%dma_start3A_477 : memref<10000x64xf32, #tpu.memory_space<hbm>>) target(%arg12 : memref<80x64xf32, #tpu.memory_space<vmem>>) offsets(%dma_start3A_474 : memref<80xi32, #tpu.memory_space<vmem>>) semaphore(%arg19 : memref<!tpu.dma_semaphore, #tpu.memory_space<semaphore_mem>>)
      %mul3A_478 = arith.constant 5 : i32
      %mul3A_479 = arith.muli %mul3A_478, %scan3A_310 : i32
      %add3A_480 = arith.constant 4 : i32
      %add3A_481 = arith.addi %mul3A_479, %add3A_480 : i32
      %multiple_of3A_482 = arith.constant 0 : i32
      %multiple_of3A_483 = tpu.assume_multiple %multiple_of3A_482, 80 : i32
      %dma_wait3A_484 = tpu.memref_slice %arg8[%multiple_of3A_483] : memref<10000xi32, #tpu.memory_space<vmem>> -> memref<80xi32, #tpu.memory_space<vmem>>
      %dma_wait3A_485 = arith.constant 0 : i32
      %dma_wait3A_486 = arith.constant 0 : i32
      %dma_wait3A_487 = tpu.memref_slice %arg15[%dma_wait3A_485, %dma_wait3A_486] : memref<10240x64xf32, #tpu.memory_space<vmem_shared>> -> memref<10240x64xf32, #tpu.memory_space<vmem_shared>>
      tpu.wait_indirect_dma semaphore(%arg25 : memref<!tpu.dma_semaphore, #tpu.memory_space<semaphore_mem>>) src(%arg13 : memref<80x64xf32, #tpu.memory_space<vmem>>) dst(%dma_wait3A_487 : memref<10240x64xf32, #tpu.memory_space<vmem_shared>>)
      %add3A_488 = arith.constant 5 : i32
      %add3A_489 = arith.addi %add3A_481, %add3A_488 : i32
      %mul3A_490 = arith.constant 80 : i32
      %mul3A_491 = arith.muli %add3A_489, %mul3A_490 : i32
      %multiple_of3A_492 = tpu.assume_multiple %mul3A_491, 80 : i32
      %dma_start3A_493 = tpu.memref_slice %arg7[%multiple_of3A_492] : memref<10000xi32, #tpu.memory_space<vmem>> -> memref<80xi32, #tpu.memory_space<vmem>>
      %dma_start3A_494 = arith.constant 0 : i32
      %dma_start3A_495 = arith.constant 0 : i32
      %dma_start3A_496 = tpu.memref_slice %arg2[%dma_start3A_494, %dma_start3A_495] : memref<10000x64xf32, #tpu.memory_space<hbm>> -> memref<10000x64xf32, #tpu.memory_space<hbm>>
      tpu.enqueue_indirect_dma source(%dma_start3A_496 : memref<10000x64xf32, #tpu.memory_space<hbm>>) target(%arg13 : memref<80x64xf32, #tpu.memory_space<vmem>>) offsets(%dma_start3A_493 : memref<80xi32, #tpu.memory_space<vmem>>) semaphore(%arg20 : memref<!tpu.dma_semaphore, #tpu.memory_space<semaphore_mem>>)
      %scan3A_497 = arith.constant 0 : i32
      scf.yield %scan3A_497 : i32
    }
    %scan3A_66 = arith.constant 24 : i32
    %multiple_of3A_67 = arith.constant 9600 : i32
    %multiple_of3A_68 = tpu.assume_multiple %multiple_of3A_67, 80 : i32
    %dma_wait3A = tpu.memref_slice %arg7[%multiple_of3A_68] : memref<10000xi32, #tpu.memory_space<vmem>> -> memref<80xi32, #tpu.memory_space<vmem>>
    %dma_wait3A_69 = arith.constant 0 : i32
    %dma_wait3A_70 = arith.constant 0 : i32
    %dma_wait3A_71 = tpu.memref_slice %arg2[%dma_wait3A_69, %dma_wait3A_70] : memref<10000x64xf32, #tpu.memory_space<hbm>> -> memref<10000x64xf32, #tpu.memory_space<hbm>>
    tpu.wait_indirect_dma semaphore(%arg16 : memref<!tpu.dma_semaphore, #tpu.memory_space<semaphore_mem>>) src(%dma_wait3A_71 : memref<10000x64xf32, #tpu.memory_space<hbm>>) dst(%arg9 : memref<80x64xf32, #tpu.memory_space<vmem>>)
    %multiple_of3A_72 = arith.constant 9600 : i32
    %multiple_of3A_73 = tpu.assume_multiple %multiple_of3A_72, 80 : i32
    %dma_start3A_74 = tpu.memref_slice %arg8[%multiple_of3A_73] : memref<10000xi32, #tpu.memory_space<vmem>> -> memref<80xi32, #tpu.memory_space<vmem>>
    %dma_start3A_75 = arith.constant 0 : i32
    %dma_start3A_76 = arith.constant 0 : i32
    %dma_start3A_77 = tpu.memref_slice %arg15[%dma_start3A_75, %dma_start3A_76] : memref<10240x64xf32, #tpu.memory_space<vmem_shared>> -> memref<10240x64xf32, #tpu.memory_space<vmem_shared>>
    tpu.enqueue_indirect_dma source(%arg9 : memref<80x64xf32, #tpu.memory_space<vmem>>) target(%dma_start3A_77 : memref<10240x64xf32, #tpu.memory_space<vmem_shared>>) offsets(%dma_start3A_74 : memref<80xi32, #tpu.memory_space<vmem>>) semaphore(%arg21 : memref<!tpu.dma_semaphore, #tpu.memory_space<semaphore_mem>>) {add = true}
    %multiple_of3A_78 = arith.constant 9680 : i32
    %multiple_of3A_79 = tpu.assume_multiple %multiple_of3A_78, 80 : i32
    %dma_wait3A_80 = tpu.memref_slice %arg7[%multiple_of3A_79] : memref<10000xi32, #tpu.memory_space<vmem>> -> memref<80xi32, #tpu.memory_space<vmem>>
    %dma_wait3A_81 = arith.constant 0 : i32
    %dma_wait3A_82 = arith.constant 0 : i32
    %dma_wait3A_83 = tpu.memref_slice %arg2[%dma_wait3A_81, %dma_wait3A_82] : memref<10000x64xf32, #tpu.memory_space<hbm>> -> memref<10000x64xf32, #tpu.memory_space<hbm>>
    tpu.wait_indirect_dma semaphore(%arg17 : memref<!tpu.dma_semaphore, #tpu.memory_space<semaphore_mem>>) src(%dma_wait3A_83 : memref<10000x64xf32, #tpu.memory_space<hbm>>) dst(%arg10 : memref<80x64xf32, #tpu.memory_space<vmem>>)
    %multiple_of3A_84 = arith.constant 9680 : i32
    %multiple_of3A_85 = tpu.assume_multiple %multiple_of3A_84, 80 : i32
    %dma_start3A_86 = tpu.memref_slice %arg8[%multiple_of3A_85] : memref<10000xi32, #tpu.memory_space<vmem>> -> memref<80xi32, #tpu.memory_space<vmem>>
    %dma_start3A_87 = arith.constant 0 : i32
    %dma_start3A_88 = arith.constant 0 : i32
    %dma_start3A_89 = tpu.memref_slice %arg15[%dma_start3A_87, %dma_start3A_88] : memref<10240x64xf32, #tpu.memory_space<vmem_shared>> -> memref<10240x64xf32, #tpu.memory_space<vmem_shared>>
    tpu.enqueue_indirect_dma source(%arg10 : memref<80x64xf32, #tpu.memory_space<vmem>>) target(%dma_start3A_89 : memref<10240x64xf32, #tpu.memory_space<vmem_shared>>) offsets(%dma_start3A_86 : memref<80xi32, #tpu.memory_space<vmem>>) semaphore(%arg22 : memref<!tpu.dma_semaphore, #tpu.memory_space<semaphore_mem>>) {add = true}
    %multiple_of3A_90 = arith.constant 9760 : i32
    %multiple_of3A_91 = tpu.assume_multiple %multiple_of3A_90, 80 : i32
    %dma_wait3A_92 = tpu.memref_slice %arg7[%multiple_of3A_91] : memref<10000xi32, #tpu.memory_space<vmem>> -> memref<80xi32, #tpu.memory_space<vmem>>
    %dma_wait3A_93 = arith.constant 0 : i32
    %dma_wait3A_94 = arith.constant 0 : i32
    %dma_wait3A_95 = tpu.memref_slice %arg2[%dma_wait3A_93, %dma_wait3A_94] : memref<10000x64xf32, #tpu.memory_space<hbm>> -> memref<10000x64xf32, #tpu.memory_space<hbm>>
    tpu.wait_indirect_dma semaphore(%arg18 : memref<!tpu.dma_semaphore, #tpu.memory_space<semaphore_mem>>) src(%dma_wait3A_95 : memref<10000x64xf32, #tpu.memory_space<hbm>>) dst(%arg11 : memref<80x64xf32, #tpu.memory_space<vmem>>)
    %multiple_of3A_96 = arith.constant 9760 : i32
    %multiple_of3A_97 = tpu.assume_multiple %multiple_of3A_96, 80 : i32
    %dma_start3A_98 = tpu.memref_slice %arg8[%multiple_of3A_97] : memref<10000xi32, #tpu.memory_space<vmem>> -> memref<80xi32, #tpu.memory_space<vmem>>
    %dma_start3A_99 = arith.constant 0 : i32
    %dma_start3A_100 = arith.constant 0 : i32
    %dma_start3A_101 = tpu.memref_slice %arg15[%dma_start3A_99, %dma_start3A_100] : memref<10240x64xf32, #tpu.memory_space<vmem_shared>> -> memref<10240x64xf32, #tpu.memory_space<vmem_shared>>
    tpu.enqueue_indirect_dma source(%arg11 : memref<80x64xf32, #tpu.memory_space<vmem>>) target(%dma_start3A_101 : memref<10240x64xf32, #tpu.memory_space<vmem_shared>>) offsets(%dma_start3A_98 : memref<80xi32, #tpu.memory_space<vmem>>) semaphore(%arg23 : memref<!tpu.dma_semaphore, #tpu.memory_space<semaphore_mem>>) {add = true}
    %multiple_of3A_102 = arith.constant 9840 : i32
    %multiple_of3A_103 = tpu.assume_multiple %multiple_of3A_102, 80 : i32
    %dma_wait3A_104 = tpu.memref_slice %arg7[%multiple_of3A_103] : memref<10000xi32, #tpu.memory_space<vmem>> -> memref<80xi32, #tpu.memory_space<vmem>>
    %dma_wait3A_105 = arith.constant 0 : i32
    %dma_wait3A_106 = arith.constant 0 : i32
    %dma_wait3A_107 = tpu.memref_slice %arg2[%dma_wait3A_105, %dma_wait3A_106] : memref<10000x64xf32, #tpu.memory_space<hbm>> -> memref<10000x64xf32, #tpu.memory_space<hbm>>
    tpu.wait_indirect_dma semaphore(%arg19 : memref<!tpu.dma_semaphore, #tpu.memory_space<semaphore_mem>>) src(%dma_wait3A_107 : memref<10000x64xf32, #tpu.memory_space<hbm>>) dst(%arg12 : memref<80x64xf32, #tpu.memory_space<vmem>>)
    %multiple_of3A_108 = arith.constant 9840 : i32
    %multiple_of3A_109 = tpu.assume_multiple %multiple_of3A_108, 80 : i32
    %dma_start3A_110 = tpu.memref_slice %arg8[%multiple_of3A_109] : memref<10000xi32, #tpu.memory_space<vmem>> -> memref<80xi32, #tpu.memory_space<vmem>>
    %dma_start3A_111 = arith.constant 0 : i32
    %dma_start3A_112 = arith.constant 0 : i32
    %dma_start3A_113 = tpu.memref_slice %arg15[%dma_start3A_111, %dma_start3A_112] : memref<10240x64xf32, #tpu.memory_space<vmem_shared>> -> memref<10240x64xf32, #tpu.memory_space<vmem_shared>>
    tpu.enqueue_indirect_dma source(%arg12 : memref<80x64xf32, #tpu.memory_space<vmem>>) target(%dma_start3A_113 : memref<10240x64xf32, #tpu.memory_space<vmem_shared>>) offsets(%dma_start3A_110 : memref<80xi32, #tpu.memory_space<vmem>>) semaphore(%arg24 : memref<!tpu.dma_semaphore, #tpu.memory_space<semaphore_mem>>) {add = true}
    %multiple_of3A_114 = arith.constant 9920 : i32
    %multiple_of3A_115 = tpu.assume_multiple %multiple_of3A_114, 80 : i32
    %dma_wait3A_116 = tpu.memref_slice %arg7[%multiple_of3A_115] : memref<10000xi32, #tpu.memory_space<vmem>> -> memref<80xi32, #tpu.memory_space<vmem>>
    %dma_wait3A_117 = arith.constant 0 : i32
    %dma_wait3A_118 = arith.constant 0 : i32
    %dma_wait3A_119 = tpu.memref_slice %arg2[%dma_wait3A_117, %dma_wait3A_118] : memref<10000x64xf32, #tpu.memory_space<hbm>> -> memref<10000x64xf32, #tpu.memory_space<hbm>>
    tpu.wait_indirect_dma semaphore(%arg20 : memref<!tpu.dma_semaphore, #tpu.memory_space<semaphore_mem>>) src(%dma_wait3A_119 : memref<10000x64xf32, #tpu.memory_space<hbm>>) dst(%arg13 : memref<80x64xf32, #tpu.memory_space<vmem>>)
    %multiple_of3A_120 = arith.constant 9920 : i32
    %multiple_of3A_121 = tpu.assume_multiple %multiple_of3A_120, 80 : i32
    %dma_start3A_122 = tpu.memref_slice %arg8[%multiple_of3A_121] : memref<10000xi32, #tpu.memory_space<vmem>> -> memref<80xi32, #tpu.memory_space<vmem>>
    %dma_start3A_123 = arith.constant 0 : i32
    %dma_start3A_124 = arith.constant 0 : i32
    %dma_start3A_125 = tpu.memref_slice %arg15[%dma_start3A_123, %dma_start3A_124] : memref<10240x64xf32, #tpu.memory_space<vmem_shared>> -> memref<10240x64xf32, #tpu.memory_space<vmem_shared>>
    tpu.enqueue_indirect_dma source(%arg13 : memref<80x64xf32, #tpu.memory_space<vmem>>) target(%dma_start3A_125 : memref<10240x64xf32, #tpu.memory_space<vmem_shared>>) offsets(%dma_start3A_122 : memref<80xi32, #tpu.memory_space<vmem>>) semaphore(%arg25 : memref<!tpu.dma_semaphore, #tpu.memory_space<semaphore_mem>>) {add = true}
    %multiple_of3A_126 = arith.constant 0 : i32
    %multiple_of3A_127 = tpu.assume_multiple %multiple_of3A_126, 80 : i32
    %dma_wait3A_128 = tpu.memref_slice %arg8[%multiple_of3A_127] : memref<10000xi32, #tpu.memory_space<vmem>> -> memref<80xi32, #tpu.memory_space<vmem>>
    %dma_wait3A_129 = arith.constant 0 : i32
    %dma_wait3A_130 = arith.constant 0 : i32
    %dma_wait3A_131 = tpu.memref_slice %arg15[%dma_wait3A_129, %dma_wait3A_130] : memref<10240x64xf32, #tpu.memory_space<vmem_shared>> -> memref<10240x64xf32, #tpu.memory_space<vmem_shared>>
    tpu.wait_indirect_dma semaphore(%arg21 : memref<!tpu.dma_semaphore, #tpu.memory_space<semaphore_mem>>) src(%arg9 : memref<80x64xf32, #tpu.memory_space<vmem>>) dst(%dma_wait3A_131 : memref<10240x64xf32, #tpu.memory_space<vmem_shared>>)
    %multiple_of3A_132 = arith.constant 0 : i32
    %multiple_of3A_133 = tpu.assume_multiple %multiple_of3A_132, 80 : i32
    %dma_wait3A_134 = tpu.memref_slice %arg8[%multiple_of3A_133] : memref<10000xi32, #tpu.memory_space<vmem>> -> memref<80xi32, #tpu.memory_space<vmem>>
    %dma_wait3A_135 = arith.constant 0 : i32
    %dma_wait3A_136 = arith.constant 0 : i32
    %dma_wait3A_137 = tpu.memref_slice %arg15[%dma_wait3A_135, %dma_wait3A_136] : memref<10240x64xf32, #tpu.memory_space<vmem_shared>> -> memref<10240x64xf32, #tpu.memory_space<vmem_shared>>
    tpu.wait_indirect_dma semaphore(%arg22 : memref<!tpu.dma_semaphore, #tpu.memory_space<semaphore_mem>>) src(%arg10 : memref<80x64xf32, #tpu.memory_space<vmem>>) dst(%dma_wait3A_137 : memref<10240x64xf32, #tpu.memory_space<vmem_shared>>)
    %multiple_of3A_138 = arith.constant 0 : i32
    %multiple_of3A_139 = tpu.assume_multiple %multiple_of3A_138, 80 : i32
    %dma_wait3A_140 = tpu.memref_slice %arg8[%multiple_of3A_139] : memref<10000xi32, #tpu.memory_space<vmem>> -> memref<80xi32, #tpu.memory_space<vmem>>
    %dma_wait3A_141 = arith.constant 0 : i32
    %dma_wait3A_142 = arith.constant 0 : i32
    %dma_wait3A_143 = tpu.memref_slice %arg15[%dma_wait3A_141, %dma_wait3A_142] : memref<10240x64xf32, #tpu.memory_space<vmem_shared>> -> memref<10240x64xf32, #tpu.memory_space<vmem_shared>>
    tpu.wait_indirect_dma semaphore(%arg23 : memref<!tpu.dma_semaphore, #tpu.memory_space<semaphore_mem>>) src(%arg11 : memref<80x64xf32, #tpu.memory_space<vmem>>) dst(%dma_wait3A_143 : memref<10240x64xf32, #tpu.memory_space<vmem_shared>>)
    %multiple_of3A_144 = arith.constant 0 : i32
    %multiple_of3A_145 = tpu.assume_multiple %multiple_of3A_144, 80 : i32
    %dma_wait3A_146 = tpu.memref_slice %arg8[%multiple_of3A_145] : memref<10000xi32, #tpu.memory_space<vmem>> -> memref<80xi32, #tpu.memory_space<vmem>>
    %dma_wait3A_147 = arith.constant 0 : i32
    %dma_wait3A_148 = arith.constant 0 : i32
    %dma_wait3A_149 = tpu.memref_slice %arg15[%dma_wait3A_147, %dma_wait3A_148] : memref<10240x64xf32, #tpu.memory_space<vmem_shared>> -> memref<10240x64xf32, #tpu.memory_space<vmem_shared>>
    tpu.wait_indirect_dma semaphore(%arg24 : memref<!tpu.dma_semaphore, #tpu.memory_space<semaphore_mem>>) src(%arg12 : memref<80x64xf32, #tpu.memory_space<vmem>>) dst(%dma_wait3A_149 : memref<10240x64xf32, #tpu.memory_space<vmem_shared>>)
    %multiple_of3A_150 = arith.constant 0 : i32
    %multiple_of3A_151 = tpu.assume_multiple %multiple_of3A_150, 80 : i32
    %dma_wait3A_152 = tpu.memref_slice %arg8[%multiple_of3A_151] : memref<10000xi32, #tpu.memory_space<vmem>> -> memref<80xi32, #tpu.memory_space<vmem>>
    %dma_wait3A_153 = arith.constant 0 : i32
    %dma_wait3A_154 = arith.constant 0 : i32
    %dma_wait3A_155 = tpu.memref_slice %arg15[%dma_wait3A_153, %dma_wait3A_154] : memref<10240x64xf32, #tpu.memory_space<vmem_shared>> -> memref<10240x64xf32, #tpu.memory_space<vmem_shared>>
    tpu.wait_indirect_dma semaphore(%arg25 : memref<!tpu.dma_semaphore, #tpu.memory_space<semaphore_mem>>) src(%arg13 : memref<80x64xf32, #tpu.memory_space<vmem>>) dst(%dma_wait3A_155 : memref<10240x64xf32, #tpu.memory_space<vmem_shared>>)
    %barrier3A_156 = arith.constant 0 : index
    tpu.barrier barrier_id(%barrier3A_156)
    %mul3A_157 = arith.constant 640 : i32
    %mul3A_158 = arith.muli %arg1, %mul3A_157 : i32
    "tpu.region"() ({
      %run_scoped3A_310 = tpu.sem_alloc : memref<!tpu.dma_semaphore, #tpu.memory_space<semaphore_mem>>
      %dma_start3A_311 = arith.constant 0 : i32
      %dma_start3A_312 = tpu.memref_slice %arg5[%arg0, %mul3A_158, %dma_start3A_311] : memref<2x10240x64xf32, #tpu.memory_space<hbm>> -> memref<1x640x64xf32, #tpu.memory_space<hbm>>
      %dma_start3A_313 = tpu.memref_squeeze %dma_start3A_312 : memref<1x640x64xf32, #tpu.memory_space<hbm>> -> memref<640x64xf32, #tpu.memory_space<hbm>>
      %dma_start3A_314 = arith.constant 0 : i32
      %dma_start3A_315 = tpu.memref_slice %arg15[%mul3A_158, %dma_start3A_314] : memref<10240x64xf32, #tpu.memory_space<vmem_shared>> -> memref<640x64xf32, #tpu.memory_space<vmem_shared>>
      tpu.enqueue_dma source(%dma_start3A_315 : memref<640x64xf32, #tpu.memory_space<vmem_shared>>) target(%dma_start3A_313 : memref<640x64xf32, #tpu.memory_space<hbm>>) target_semaphore(%run_scoped3A_310 : memref<!tpu.dma_semaphore, #tpu.memory_space<semaphore_mem>>)
      %dma_wait3A_316 = arith.constant 0 : i32
      %dma_wait3A_317 = tpu.memref_slice %arg5[%arg0, %mul3A_158, %dma_wait3A_316] : memref<2x10240x64xf32, #tpu.memory_space<hbm>> -> memref<1x640x64xf32, #tpu.memory_space<hbm>>
      %dma_wait3A_318 = tpu.memref_squeeze %dma_wait3A_317 : memref<1x640x64xf32, #tpu.memory_space<hbm>> -> memref<640x64xf32, #tpu.memory_space<hbm>>
      %dma_wait3A_319 = arith.constant 0 : i32
      %dma_wait3A_320 = tpu.memref_slice %arg15[%mul3A_158, %dma_wait3A_319] : memref<10240x64xf32, #tpu.memory_space<vmem_shared>> -> memref<640x64xf32, #tpu.memory_space<vmem_shared>>
      tpu.wait_dma2 semaphore(%run_scoped3A_310 : memref<!tpu.dma_semaphore, #tpu.memory_space<semaphore_mem>>) src(%dma_wait3A_320 : memref<640x64xf32, #tpu.memory_space<vmem_shared>>) dst(%dma_wait3A_318 : memref<640x64xf32, #tpu.memory_space<hbm>>)
      tpu.yield
    }) : () -> ()
    %mul3A_159 = arith.constant 640 : i32
    %mul3A_160 = arith.muli %arg1, %mul3A_159 : i32
    %add3A_161 = arith.constant 0 : i32
    %add3A_162 = arith.addi %mul3A_160, %add3A_161 : i32
    "tpu.region"() ({
      %run_scoped3A_310 = tpu.sem_alloc : memref<!tpu.dma_semaphore, #tpu.memory_space<semaphore_mem>>
      %dma_start3A_311 = arith.constant 0 : i32
      %dma_start3A_312 = tpu.memref_slice %arg15[%add3A_162, %dma_start3A_311] : memref<10240x64xf32, #tpu.memory_space<vmem_shared>> -> memref<128x64xf32, #tpu.memory_space<vmem_shared>>
      %dma_start3A_313 = arith.constant 0 : i32
      %dma_start3A_314 = tpu.memref_slice %arg15[%add3A_162, %dma_start3A_313] : memref<10240x64xf32, #tpu.memory_space<vmem_shared>> -> memref<128x64xf32, #tpu.memory_space<vmem_shared>>
      tpu.enqueue_dma source(%arg14 : memref<128x64xf32, #tpu.memory_space<vmem>>) target(%dma_start3A_314 : memref<128x64xf32, #tpu.memory_space<vmem_shared>>) target_semaphore(%run_scoped3A_310 : memref<!tpu.dma_semaphore, #tpu.memory_space<semaphore_mem>>)
      %dma_wait3A_315 = arith.constant 0 : i32
      %dma_wait3A_316 = tpu.memref_slice %arg15[%add3A_162, %dma_wait3A_315] : memref<10240x64xf32, #tpu.memory_space<vmem_shared>> -> memref<128x64xf32, #tpu.memory_space<vmem_shared>>
      %dma_wait3A_317 = arith.constant 0 : i32
      %dma_wait3A_318 = tpu.memref_slice %arg15[%add3A_162, %dma_wait3A_317] : memref<10240x64xf32, #tpu.memory_space<vmem_shared>> -> memref<128x64xf32, #tpu.memory_space<vmem_shared>>
      tpu.wait_dma2 semaphore(%run_scoped3A_310 : memref<!tpu.dma_semaphore, #tpu.memory_space<semaphore_mem>>) src(%arg14 : memref<128x64xf32, #tpu.memory_space<vmem>>) dst(%dma_wait3A_318 : memref<128x64xf32, #tpu.memory_space<vmem_shared>>)
      tpu.yield
    }) : () -> ()
    %mul3A_163 = arith.constant 640 : i32
    %mul3A_164 = arith.muli %arg1, %mul3A_163 : i32
    %add3A_165 = arith.constant 128 : i32
    %add3A_166 = arith.addi %mul3A_164, %add3A_165 : i32
    "tpu.region"() ({
      %run_scoped3A_310 = tpu.sem_alloc : memref<!tpu.dma_semaphore, #tpu.memory_space<semaphore_mem>>
      %dma_start3A_311 = arith.constant 0 : i32
      %dma_start3A_312 = tpu.memref_slice %arg15[%add3A_166, %dma_start3A_311] : memref<10240x64xf32, #tpu.memory_space<vmem_shared>> -> memref<128x64xf32, #tpu.memory_space<vmem_shared>>
      %dma_start3A_313 = arith.constant 0 : i32
      %dma_start3A_314 = tpu.memref_slice %arg15[%add3A_166, %dma_start3A_313] : memref<10240x64xf32, #tpu.memory_space<vmem_shared>> -> memref<128x64xf32, #tpu.memory_space<vmem_shared>>
      tpu.enqueue_dma source(%arg14 : memref<128x64xf32, #tpu.memory_space<vmem>>) target(%dma_start3A_314 : memref<128x64xf32, #tpu.memory_space<vmem_shared>>) target_semaphore(%run_scoped3A_310 : memref<!tpu.dma_semaphore, #tpu.memory_space<semaphore_mem>>)
      %dma_wait3A_315 = arith.constant 0 : i32
      %dma_wait3A_316 = tpu.memref_slice %arg15[%add3A_166, %dma_wait3A_315] : memref<10240x64xf32, #tpu.memory_space<vmem_shared>> -> memref<128x64xf32, #tpu.memory_space<vmem_shared>>
      %dma_wait3A_317 = arith.constant 0 : i32
      %dma_wait3A_318 = tpu.memref_slice %arg15[%add3A_166, %dma_wait3A_317] : memref<10240x64xf32, #tpu.memory_space<vmem_shared>> -> memref<128x64xf32, #tpu.memory_space<vmem_shared>>
      tpu.wait_dma2 semaphore(%run_scoped3A_310 : memref<!tpu.dma_semaphore, #tpu.memory_space<semaphore_mem>>) src(%arg14 : memref<128x64xf32, #tpu.memory_space<vmem>>) dst(%dma_wait3A_318 : memref<128x64xf32, #tpu.memory_space<vmem_shared>>)
      tpu.yield
    }) : () -> ()
    %mul3A_167 = arith.constant 640 : i32
    %mul3A_168 = arith.muli %arg1, %mul3A_167 : i32
    %add3A_169 = arith.constant 256 : i32
    %add3A_170 = arith.addi %mul3A_168, %add3A_169 : i32
    "tpu.region"() ({
      %run_scoped3A_310 = tpu.sem_alloc : memref<!tpu.dma_semaphore, #tpu.memory_space<semaphore_mem>>
      %dma_start3A_311 = arith.constant 0 : i32
      %dma_start3A_312 = tpu.memref_slice %arg15[%add3A_170, %dma_start3A_311] : memref<10240x64xf32, #tpu.memory_space<vmem_shared>> -> memref<128x64xf32, #tpu.memory_space<vmem_shared>>
      %dma_start3A_313 = arith.constant 0 : i32
      %dma_start3A_314 = tpu.memref_slice %arg15[%add3A_170, %dma_start3A_313] : memref<10240x64xf32, #tpu.memory_space<vmem_shared>> -> memref<128x64xf32, #tpu.memory_space<vmem_shared>>
      tpu.enqueue_dma source(%arg14 : memref<128x64xf32, #tpu.memory_space<vmem>>) target(%dma_start3A_314 : memref<128x64xf32, #tpu.memory_space<vmem_shared>>) target_semaphore(%run_scoped3A_310 : memref<!tpu.dma_semaphore, #tpu.memory_space<semaphore_mem>>)
      %dma_wait3A_315 = arith.constant 0 : i32
      %dma_wait3A_316 = tpu.memref_slice %arg15[%add3A_170, %dma_wait3A_315] : memref<10240x64xf32, #tpu.memory_space<vmem_shared>> -> memref<128x64xf32, #tpu.memory_space<vmem_shared>>
      %dma_wait3A_317 = arith.constant 0 : i32
      %dma_wait3A_318 = tpu.memref_slice %arg15[%add3A_170, %dma_wait3A_317] : memref<10240x64xf32, #tpu.memory_space<vmem_shared>> -> memref<128x64xf32, #tpu.memory_space<vmem_shared>>
      tpu.wait_dma2 semaphore(%run_scoped3A_310 : memref<!tpu.dma_semaphore, #tpu.memory_space<semaphore_mem>>) src(%arg14 : memref<128x64xf32, #tpu.memory_space<vmem>>) dst(%dma_wait3A_318 : memref<128x64xf32, #tpu.memory_space<vmem_shared>>)
      tpu.yield
    }) : () -> ()
    %mul3A_171 = arith.constant 640 : i32
    %mul3A_172 = arith.muli %arg1, %mul3A_171 : i32
    %add3A_173 = arith.constant 384 : i32
    %add3A_174 = arith.addi %mul3A_172, %add3A_173 : i32
    "tpu.region"() ({
      %run_scoped3A_310 = tpu.sem_alloc : memref<!tpu.dma_semaphore, #tpu.memory_space<semaphore_mem>>
      %dma_start3A_311 = arith.constant 0 : i32
      %dma_start3A_312 = tpu.memref_slice %arg15[%add3A_174, %dma_start3A_311] : memref<10240x64xf32, #tpu.memory_space<vmem_shared>> -> memref<128x64xf32, #tpu.memory_space<vmem_shared>>
      %dma_start3A_313 = arith.constant 0 : i32
      %dma_start3A_314 = tpu.memref_slice %arg15[%add3A_174, %dma_start3A_313] : memref<10240x64xf32, #tpu.memory_space<vmem_shared>> -> memref<128x64xf32, #tpu.memory_space<vmem_shared>>
      tpu.enqueue_dma source(%arg14 : memref<128x64xf32, #tpu.memory_space<vmem>>) target(%dma_start3A_314 : memref<128x64xf32, #tpu.memory_space<vmem_shared>>) target_semaphore(%run_scoped3A_310 : memref<!tpu.dma_semaphore, #tpu.memory_space<semaphore_mem>>)
      %dma_wait3A_315 = arith.constant 0 : i32
      %dma_wait3A_316 = tpu.memref_slice %arg15[%add3A_174, %dma_wait3A_315] : memref<10240x64xf32, #tpu.memory_space<vmem_shared>> -> memref<128x64xf32, #tpu.memory_space<vmem_shared>>
      %dma_wait3A_317 = arith.constant 0 : i32
      %dma_wait3A_318 = tpu.memref_slice %arg15[%add3A_174, %dma_wait3A_317] : memref<10240x64xf32, #tpu.memory_space<vmem_shared>> -> memref<128x64xf32, #tpu.memory_space<vmem_shared>>
      tpu.wait_dma2 semaphore(%run_scoped3A_310 : memref<!tpu.dma_semaphore, #tpu.memory_space<semaphore_mem>>) src(%arg14 : memref<128x64xf32, #tpu.memory_space<vmem>>) dst(%dma_wait3A_318 : memref<128x64xf32, #tpu.memory_space<vmem_shared>>)
      tpu.yield
    }) : () -> ()
    %mul3A_175 = arith.constant 640 : i32
    %mul3A_176 = arith.muli %arg1, %mul3A_175 : i32
    %add3A_177 = arith.constant 512 : i32
    %add3A_178 = arith.addi %mul3A_176, %add3A_177 : i32
    "tpu.region"() ({
      %run_scoped3A_310 = tpu.sem_alloc : memref<!tpu.dma_semaphore, #tpu.memory_space<semaphore_mem>>
      %dma_start3A_311 = arith.constant 0 : i32
      %dma_start3A_312 = tpu.memref_slice %arg15[%add3A_178, %dma_start3A_311] : memref<10240x64xf32, #tpu.memory_space<vmem_shared>> -> memref<128x64xf32, #tpu.memory_space<vmem_shared>>
      %dma_start3A_313 = arith.constant 0 : i32
      %dma_start3A_314 = tpu.memref_slice %arg15[%add3A_178, %dma_start3A_313] : memref<10240x64xf32, #tpu.memory_space<vmem_shared>> -> memref<128x64xf32, #tpu.memory_space<vmem_shared>>
      tpu.enqueue_dma source(%arg14 : memref<128x64xf32, #tpu.memory_space<vmem>>) target(%dma_start3A_314 : memref<128x64xf32, #tpu.memory_space<vmem_shared>>) target_semaphore(%run_scoped3A_310 : memref<!tpu.dma_semaphore, #tpu.memory_space<semaphore_mem>>)
      %dma_wait3A_315 = arith.constant 0 : i32
      %dma_wait3A_316 = tpu.memref_slice %arg15[%add3A_178, %dma_wait3A_315] : memref<10240x64xf32, #tpu.memory_space<vmem_shared>> -> memref<128x64xf32, #tpu.memory_space<vmem_shared>>
      %dma_wait3A_317 = arith.constant 0 : i32
      %dma_wait3A_318 = tpu.memref_slice %arg15[%add3A_178, %dma_wait3A_317] : memref<10240x64xf32, #tpu.memory_space<vmem_shared>> -> memref<128x64xf32, #tpu.memory_space<vmem_shared>>
      tpu.wait_dma2 semaphore(%run_scoped3A_310 : memref<!tpu.dma_semaphore, #tpu.memory_space<semaphore_mem>>) src(%arg14 : memref<128x64xf32, #tpu.memory_space<vmem>>) dst(%dma_wait3A_318 : memref<128x64xf32, #tpu.memory_space<vmem_shared>>)
      tpu.yield
    }) : () -> ()
    %barrier3A_179 = arith.constant 0 : index
    tpu.barrier barrier_id(%barrier3A_179)
    %multiple_of3A_180 = arith.constant 0 : i32
    %multiple_of3A_181 = tpu.assume_multiple %multiple_of3A_180, 80 : i32
    %dma_start3A_182 = tpu.memref_slice %arg7[%multiple_of3A_181] : memref<10000xi32, #tpu.memory_space<vmem>> -> memref<80xi32, #tpu.memory_space<vmem>>
    %dma_start3A_183 = arith.constant 0 : i32
    %dma_start3A_184 = arith.constant 0 : i32
    %dma_start3A_185 = tpu.memref_slice %arg3[%dma_start3A_183, %dma_start3A_184] : memref<10000x64xf32, #tpu.memory_space<hbm>> -> memref<10000x64xf32, #tpu.memory_space<hbm>>
    tpu.enqueue_indirect_dma source(%dma_start3A_185 : memref<10000x64xf32, #tpu.memory_space<hbm>>) target(%arg9 : memref<80x64xf32, #tpu.memory_space<vmem>>) offsets(%dma_start3A_182 : memref<80xi32, #tpu.memory_space<vmem>>) semaphore(%arg16 : memref<!tpu.dma_semaphore, #tpu.memory_space<semaphore_mem>>)
    %multiple_of3A_186 = arith.constant 80 : i32
    %multiple_of3A_187 = tpu.assume_multiple %multiple_of3A_186, 80 : i32
    %dma_start3A_188 = tpu.memref_slice %arg7[%multiple_of3A_187] : memref<10000xi32, #tpu.memory_space<vmem>> -> memref<80xi32, #tpu.memory_space<vmem>>
    %dma_start3A_189 = arith.constant 0 : i32
    %dma_start3A_190 = arith.constant 0 : i32
    %dma_start3A_191 = tpu.memref_slice %arg3[%dma_start3A_189, %dma_start3A_190] : memref<10000x64xf32, #tpu.memory_space<hbm>> -> memref<10000x64xf32, #tpu.memory_space<hbm>>
    tpu.enqueue_indirect_dma source(%dma_start3A_191 : memref<10000x64xf32, #tpu.memory_space<hbm>>) target(%arg10 : memref<80x64xf32, #tpu.memory_space<vmem>>) offsets(%dma_start3A_188 : memref<80xi32, #tpu.memory_space<vmem>>) semaphore(%arg17 : memref<!tpu.dma_semaphore, #tpu.memory_space<semaphore_mem>>)
    %multiple_of3A_192 = arith.constant 160 : i32
    %multiple_of3A_193 = tpu.assume_multiple %multiple_of3A_192, 80 : i32
    %dma_start3A_194 = tpu.memref_slice %arg7[%multiple_of3A_193] : memref<10000xi32, #tpu.memory_space<vmem>> -> memref<80xi32, #tpu.memory_space<vmem>>
    %dma_start3A_195 = arith.constant 0 : i32
    %dma_start3A_196 = arith.constant 0 : i32
    %dma_start3A_197 = tpu.memref_slice %arg3[%dma_start3A_195, %dma_start3A_196] : memref<10000x64xf32, #tpu.memory_space<hbm>> -> memref<10000x64xf32, #tpu.memory_space<hbm>>
    tpu.enqueue_indirect_dma source(%dma_start3A_197 : memref<10000x64xf32, #tpu.memory_space<hbm>>) target(%arg11 : memref<80x64xf32, #tpu.memory_space<vmem>>) offsets(%dma_start3A_194 : memref<80xi32, #tpu.memory_space<vmem>>) semaphore(%arg18 : memref<!tpu.dma_semaphore, #tpu.memory_space<semaphore_mem>>)
    %multiple_of3A_198 = arith.constant 240 : i32
    %multiple_of3A_199 = tpu.assume_multiple %multiple_of3A_198, 80 : i32
    %dma_start3A_200 = tpu.memref_slice %arg7[%multiple_of3A_199] : memref<10000xi32, #tpu.memory_space<vmem>> -> memref<80xi32, #tpu.memory_space<vmem>>
    %dma_start3A_201 = arith.constant 0 : i32
    %dma_start3A_202 = arith.constant 0 : i32
    %dma_start3A_203 = tpu.memref_slice %arg3[%dma_start3A_201, %dma_start3A_202] : memref<10000x64xf32, #tpu.memory_space<hbm>> -> memref<10000x64xf32, #tpu.memory_space<hbm>>
    tpu.enqueue_indirect_dma source(%dma_start3A_203 : memref<10000x64xf32, #tpu.memory_space<hbm>>) target(%arg12 : memref<80x64xf32, #tpu.memory_space<vmem>>) offsets(%dma_start3A_200 : memref<80xi32, #tpu.memory_space<vmem>>) semaphore(%arg19 : memref<!tpu.dma_semaphore, #tpu.memory_space<semaphore_mem>>)
    %multiple_of3A_204 = arith.constant 320 : i32
    %multiple_of3A_205 = tpu.assume_multiple %multiple_of3A_204, 80 : i32
    %dma_start3A_206 = tpu.memref_slice %arg7[%multiple_of3A_205] : memref<10000xi32, #tpu.memory_space<vmem>> -> memref<80xi32, #tpu.memory_space<vmem>>
    %dma_start3A_207 = arith.constant 0 : i32
    %dma_start3A_208 = arith.constant 0 : i32
    %dma_start3A_209 = tpu.memref_slice %arg3[%dma_start3A_207, %dma_start3A_208] : memref<10000x64xf32, #tpu.memory_space<hbm>> -> memref<10000x64xf32, #tpu.memory_space<hbm>>
    tpu.enqueue_indirect_dma source(%dma_start3A_209 : memref<10000x64xf32, #tpu.memory_space<hbm>>) target(%arg13 : memref<80x64xf32, #tpu.memory_space<vmem>>) offsets(%dma_start3A_206 : memref<80xi32, #tpu.memory_space<vmem>>) semaphore(%arg20 : memref<!tpu.dma_semaphore, #tpu.memory_space<semaphore_mem>>)
    %scan3A_210 = arith.constant 0 : i32
    %scan3A_211 = arith.constant 0 : i32
    %scan3A_212 = arith.constant 24 : i32
    %scan3A_213 = arith.addi %scan3A_211, %scan3A_212 : i32
    %scan3A_214 = arith.constant 1 : i32
    %scan3A_215 = scf.for %scan3A_310 = %scan3A_211 to %scan3A_213 step %scan3A_214 iter_args(%scan3A_311 = %scan3A_210) -> (i32)  : i32 {
      %mul3A_312 = arith.constant 5 : i32
      %mul3A_313 = arith.muli %mul3A_312, %scan3A_310 : i32
      %add3A_314 = arith.constant 0 : i32
      %add3A_315 = arith.addi %mul3A_313, %add3A_314 : i32
      %mul3A_316 = arith.constant 80 : i32
      %mul3A_317 = arith.muli %add3A_315, %mul3A_316 : i32
      %multiple_of3A_318 = tpu.assume_multiple %mul3A_317, 80 : i32
      %dma_wait3A_319 = tpu.memref_slice %arg7[%multiple_of3A_318] : memref<10000xi32, #tpu.memory_space<vmem>> -> memref<80xi32, #tpu.memory_space<vmem>>
      %dma_wait3A_320 = arith.constant 0 : i32
      %dma_wait3A_321 = arith.constant 0 : i32
      %dma_wait3A_322 = tpu.memref_slice %arg3[%dma_wait3A_320, %dma_wait3A_321] : memref<10000x64xf32, #tpu.memory_space<hbm>> -> memref<10000x64xf32, #tpu.memory_space<hbm>>
      tpu.wait_indirect_dma semaphore(%arg16 : memref<!tpu.dma_semaphore, #tpu.memory_space<semaphore_mem>>) src(%dma_wait3A_322 : memref<10000x64xf32, #tpu.memory_space<hbm>>) dst(%arg9 : memref<80x64xf32, #tpu.memory_space<vmem>>)
      %mul3A_323 = arith.constant 80 : i32
      %mul3A_324 = arith.muli %add3A_315, %mul3A_323 : i32
      %multiple_of3A_325 = tpu.assume_multiple %mul3A_324, 80 : i32
      %dma_start3A_326 = tpu.memref_slice %arg8[%multiple_of3A_325] : memref<10000xi32, #tpu.memory_space<vmem>> -> memref<80xi32, #tpu.memory_space<vmem>>
      %dma_start3A_327 = arith.constant 0 : i32
      %dma_start3A_328 = arith.constant 0 : i32
      %dma_start3A_329 = tpu.memref_slice %arg15[%dma_start3A_327, %dma_start3A_328] : memref<10240x64xf32, #tpu.memory_space<vmem_shared>> -> memref<10240x64xf32, #tpu.memory_space<vmem_shared>>
      tpu.enqueue_indirect_dma source(%arg9 : memref<80x64xf32, #tpu.memory_space<vmem>>) target(%dma_start3A_329 : memref<10240x64xf32, #tpu.memory_space<vmem_shared>>) offsets(%dma_start3A_326 : memref<80xi32, #tpu.memory_space<vmem>>) semaphore(%arg21 : memref<!tpu.dma_semaphore, #tpu.memory_space<semaphore_mem>>) {add = true}
      %mul3A_330 = arith.constant 5 : i32
      %mul3A_331 = arith.muli %mul3A_330, %scan3A_310 : i32
      %add3A_332 = arith.constant 1 : i32
      %add3A_333 = arith.addi %mul3A_331, %add3A_332 : i32
      %mul3A_334 = arith.constant 80 : i32
      %mul3A_335 = arith.muli %add3A_333, %mul3A_334 : i32
      %multiple_of3A_336 = tpu.assume_multiple %mul3A_335, 80 : i32
      %dma_wait3A_337 = tpu.memref_slice %arg7[%multiple_of3A_336] : memref<10000xi32, #tpu.memory_space<vmem>> -> memref<80xi32, #tpu.memory_space<vmem>>
      %dma_wait3A_338 = arith.constant 0 : i32
      %dma_wait3A_339 = arith.constant 0 : i32
      %dma_wait3A_340 = tpu.memref_slice %arg3[%dma_wait3A_338, %dma_wait3A_339] : memref<10000x64xf32, #tpu.memory_space<hbm>> -> memref<10000x64xf32, #tpu.memory_space<hbm>>
      tpu.wait_indirect_dma semaphore(%arg17 : memref<!tpu.dma_semaphore, #tpu.memory_space<semaphore_mem>>) src(%dma_wait3A_340 : memref<10000x64xf32, #tpu.memory_space<hbm>>) dst(%arg10 : memref<80x64xf32, #tpu.memory_space<vmem>>)
      %mul3A_341 = arith.constant 80 : i32
      %mul3A_342 = arith.muli %add3A_333, %mul3A_341 : i32
      %multiple_of3A_343 = tpu.assume_multiple %mul3A_342, 80 : i32
      %dma_start3A_344 = tpu.memref_slice %arg8[%multiple_of3A_343] : memref<10000xi32, #tpu.memory_space<vmem>> -> memref<80xi32, #tpu.memory_space<vmem>>
      %dma_start3A_345 = arith.constant 0 : i32
      %dma_start3A_346 = arith.constant 0 : i32
      %dma_start3A_347 = tpu.memref_slice %arg15[%dma_start3A_345, %dma_start3A_346] : memref<10240x64xf32, #tpu.memory_space<vmem_shared>> -> memref<10240x64xf32, #tpu.memory_space<vmem_shared>>
      tpu.enqueue_indirect_dma source(%arg10 : memref<80x64xf32, #tpu.memory_space<vmem>>) target(%dma_start3A_347 : memref<10240x64xf32, #tpu.memory_space<vmem_shared>>) offsets(%dma_start3A_344 : memref<80xi32, #tpu.memory_space<vmem>>) semaphore(%arg22 : memref<!tpu.dma_semaphore, #tpu.memory_space<semaphore_mem>>) {add = true}
      %mul3A_348 = arith.constant 5 : i32
      %mul3A_349 = arith.muli %mul3A_348, %scan3A_310 : i32
      %add3A_350 = arith.constant 2 : i32
      %add3A_351 = arith.addi %mul3A_349, %add3A_350 : i32
      %mul3A_352 = arith.constant 80 : i32
      %mul3A_353 = arith.muli %add3A_351, %mul3A_352 : i32
      %multiple_of3A_354 = tpu.assume_multiple %mul3A_353, 80 : i32
      %dma_wait3A_355 = tpu.memref_slice %arg7[%multiple_of3A_354] : memref<10000xi32, #tpu.memory_space<vmem>> -> memref<80xi32, #tpu.memory_space<vmem>>
      %dma_wait3A_356 = arith.constant 0 : i32
      %dma_wait3A_357 = arith.constant 0 : i32
      %dma_wait3A_358 = tpu.memref_slice %arg3[%dma_wait3A_356, %dma_wait3A_357] : memref<10000x64xf32, #tpu.memory_space<hbm>> -> memref<10000x64xf32, #tpu.memory_space<hbm>>
      tpu.wait_indirect_dma semaphore(%arg18 : memref<!tpu.dma_semaphore, #tpu.memory_space<semaphore_mem>>) src(%dma_wait3A_358 : memref<10000x64xf32, #tpu.memory_space<hbm>>) dst(%arg11 : memref<80x64xf32, #tpu.memory_space<vmem>>)
      %mul3A_359 = arith.constant 80 : i32
      %mul3A_360 = arith.muli %add3A_351, %mul3A_359 : i32
      %multiple_of3A_361 = tpu.assume_multiple %mul3A_360, 80 : i32
      %dma_start3A_362 = tpu.memref_slice %arg8[%multiple_of3A_361] : memref<10000xi32, #tpu.memory_space<vmem>> -> memref<80xi32, #tpu.memory_space<vmem>>
      %dma_start3A_363 = arith.constant 0 : i32
      %dma_start3A_364 = arith.constant 0 : i32
      %dma_start3A_365 = tpu.memref_slice %arg15[%dma_start3A_363, %dma_start3A_364] : memref<10240x64xf32, #tpu.memory_space<vmem_shared>> -> memref<10240x64xf32, #tpu.memory_space<vmem_shared>>
      tpu.enqueue_indirect_dma source(%arg11 : memref<80x64xf32, #tpu.memory_space<vmem>>) target(%dma_start3A_365 : memref<10240x64xf32, #tpu.memory_space<vmem_shared>>) offsets(%dma_start3A_362 : memref<80xi32, #tpu.memory_space<vmem>>) semaphore(%arg23 : memref<!tpu.dma_semaphore, #tpu.memory_space<semaphore_mem>>) {add = true}
      %mul3A_366 = arith.constant 5 : i32
      %mul3A_367 = arith.muli %mul3A_366, %scan3A_310 : i32
      %add3A_368 = arith.constant 3 : i32
      %add3A_369 = arith.addi %mul3A_367, %add3A_368 : i32
      %mul3A_370 = arith.constant 80 : i32
      %mul3A_371 = arith.muli %add3A_369, %mul3A_370 : i32
      %multiple_of3A_372 = tpu.assume_multiple %mul3A_371, 80 : i32
      %dma_wait3A_373 = tpu.memref_slice %arg7[%multiple_of3A_372] : memref<10000xi32, #tpu.memory_space<vmem>> -> memref<80xi32, #tpu.memory_space<vmem>>
      %dma_wait3A_374 = arith.constant 0 : i32
      %dma_wait3A_375 = arith.constant 0 : i32
      %dma_wait3A_376 = tpu.memref_slice %arg3[%dma_wait3A_374, %dma_wait3A_375] : memref<10000x64xf32, #tpu.memory_space<hbm>> -> memref<10000x64xf32, #tpu.memory_space<hbm>>
      tpu.wait_indirect_dma semaphore(%arg19 : memref<!tpu.dma_semaphore, #tpu.memory_space<semaphore_mem>>) src(%dma_wait3A_376 : memref<10000x64xf32, #tpu.memory_space<hbm>>) dst(%arg12 : memref<80x64xf32, #tpu.memory_space<vmem>>)
      %mul3A_377 = arith.constant 80 : i32
      %mul3A_378 = arith.muli %add3A_369, %mul3A_377 : i32
      %multiple_of3A_379 = tpu.assume_multiple %mul3A_378, 80 : i32
      %dma_start3A_380 = tpu.memref_slice %arg8[%multiple_of3A_379] : memref<10000xi32, #tpu.memory_space<vmem>> -> memref<80xi32, #tpu.memory_space<vmem>>
      %dma_start3A_381 = arith.constant 0 : i32
      %dma_start3A_382 = arith.constant 0 : i32
      %dma_start3A_383 = tpu.memref_slice %arg15[%dma_start3A_381, %dma_start3A_382] : memref<10240x64xf32, #tpu.memory_space<vmem_shared>> -> memref<10240x64xf32, #tpu.memory_space<vmem_shared>>
      tpu.enqueue_indirect_dma source(%arg12 : memref<80x64xf32, #tpu.memory_space<vmem>>) target(%dma_start3A_383 : memref<10240x64xf32, #tpu.memory_space<vmem_shared>>) offsets(%dma_start3A_380 : memref<80xi32, #tpu.memory_space<vmem>>) semaphore(%arg24 : memref<!tpu.dma_semaphore, #tpu.memory_space<semaphore_mem>>) {add = true}
      %mul3A_384 = arith.constant 5 : i32
      %mul3A_385 = arith.muli %mul3A_384, %scan3A_310 : i32
      %add3A_386 = arith.constant 4 : i32
      %add3A_387 = arith.addi %mul3A_385, %add3A_386 : i32
      %mul3A_388 = arith.constant 80 : i32
      %mul3A_389 = arith.muli %add3A_387, %mul3A_388 : i32
      %multiple_of3A_390 = tpu.assume_multiple %mul3A_389, 80 : i32
      %dma_wait3A_391 = tpu.memref_slice %arg7[%multiple_of3A_390] : memref<10000xi32, #tpu.memory_space<vmem>> -> memref<80xi32, #tpu.memory_space<vmem>>
      %dma_wait3A_392 = arith.constant 0 : i32
      %dma_wait3A_393 = arith.constant 0 : i32
      %dma_wait3A_394 = tpu.memref_slice %arg3[%dma_wait3A_392, %dma_wait3A_393] : memref<10000x64xf32, #tpu.memory_space<hbm>> -> memref<10000x64xf32, #tpu.memory_space<hbm>>
      tpu.wait_indirect_dma semaphore(%arg20 : memref<!tpu.dma_semaphore, #tpu.memory_space<semaphore_mem>>) src(%dma_wait3A_394 : memref<10000x64xf32, #tpu.memory_space<hbm>>) dst(%arg13 : memref<80x64xf32, #tpu.memory_space<vmem>>)
      %mul3A_395 = arith.constant 80 : i32
      %mul3A_396 = arith.muli %add3A_387, %mul3A_395 : i32
      %multiple_of3A_397 = tpu.assume_multiple %mul3A_396, 80 : i32
      %dma_start3A_398 = tpu.memref_slice %arg8[%multiple_of3A_397] : memref<10000xi32, #tpu.memory_space<vmem>> -> memref<80xi32, #tpu.memory_space<vmem>>
      %dma_start3A_399 = arith.constant 0 : i32
      %dma_start3A_400 = arith.constant 0 : i32
      %dma_start3A_401 = tpu.memref_slice %arg15[%dma_start3A_399, %dma_start3A_400] : memref<10240x64xf32, #tpu.memory_space<vmem_shared>> -> memref<10240x64xf32, #tpu.memory_space<vmem_shared>>
      tpu.enqueue_indirect_dma source(%arg13 : memref<80x64xf32, #tpu.memory_space<vmem>>) target(%dma_start3A_401 : memref<10240x64xf32, #tpu.memory_space<vmem_shared>>) offsets(%dma_start3A_398 : memref<80xi32, #tpu.memory_space<vmem>>) semaphore(%arg25 : memref<!tpu.dma_semaphore, #tpu.memory_space<semaphore_mem>>) {add = true}
      %mul3A_402 = arith.constant 5 : i32
      %mul3A_403 = arith.muli %mul3A_402, %scan3A_310 : i32
      %add3A_404 = arith.constant 0 : i32
      %add3A_405 = arith.addi %mul3A_403, %add3A_404 : i32
      %multiple_of3A_406 = arith.constant 0 : i32
      %multiple_of3A_407 = tpu.assume_multiple %multiple_of3A_406, 80 : i32
      %dma_wait3A_408 = tpu.memref_slice %arg8[%multiple_of3A_407] : memref<10000xi32, #tpu.memory_space<vmem>> -> memref<80xi32, #tpu.memory_space<vmem>>
      %dma_wait3A_409 = arith.constant 0 : i32
      %dma_wait3A_410 = arith.constant 0 : i32
      %dma_wait3A_411 = tpu.memref_slice %arg15[%dma_wait3A_409, %dma_wait3A_410] : memref<10240x64xf32, #tpu.memory_space<vmem_shared>> -> memref<10240x64xf32, #tpu.memory_space<vmem_shared>>
      tpu.wait_indirect_dma semaphore(%arg21 : memref<!tpu.dma_semaphore, #tpu.memory_space<semaphore_mem>>) src(%arg9 : memref<80x64xf32, #tpu.memory_space<vmem>>) dst(%dma_wait3A_411 : memref<10240x64xf32, #tpu.memory_space<vmem_shared>>)
      %add3A_412 = arith.constant 5 : i32
      %add3A_413 = arith.addi %add3A_405, %add3A_412 : i32
      %mul3A_414 = arith.constant 80 : i32
      %mul3A_415 = arith.muli %add3A_413, %mul3A_414 : i32
      %multiple_of3A_416 = tpu.assume_multiple %mul3A_415, 80 : i32
      %dma_start3A_417 = tpu.memref_slice %arg7[%multiple_of3A_416] : memref<10000xi32, #tpu.memory_space<vmem>> -> memref<80xi32, #tpu.memory_space<vmem>>
      %dma_start3A_418 = arith.constant 0 : i32
      %dma_start3A_419 = arith.constant 0 : i32
      %dma_start3A_420 = tpu.memref_slice %arg3[%dma_start3A_418, %dma_start3A_419] : memref<10000x64xf32, #tpu.memory_space<hbm>> -> memref<10000x64xf32, #tpu.memory_space<hbm>>
      tpu.enqueue_indirect_dma source(%dma_start3A_420 : memref<10000x64xf32, #tpu.memory_space<hbm>>) target(%arg9 : memref<80x64xf32, #tpu.memory_space<vmem>>) offsets(%dma_start3A_417 : memref<80xi32, #tpu.memory_space<vmem>>) semaphore(%arg16 : memref<!tpu.dma_semaphore, #tpu.memory_space<semaphore_mem>>)
      %mul3A_421 = arith.constant 5 : i32
      %mul3A_422 = arith.muli %mul3A_421, %scan3A_310 : i32
      %add3A_423 = arith.constant 1 : i32
      %add3A_424 = arith.addi %mul3A_422, %add3A_423 : i32
      %multiple_of3A_425 = arith.constant 0 : i32
      %multiple_of3A_426 = tpu.assume_multiple %multiple_of3A_425, 80 : i32
      %dma_wait3A_427 = tpu.memref_slice %arg8[%multiple_of3A_426] : memref<10000xi32, #tpu.memory_space<vmem>> -> memref<80xi32, #tpu.memory_space<vmem>>
      %dma_wait3A_428 = arith.constant 0 : i32
      %dma_wait3A_429 = arith.constant 0 : i32
      %dma_wait3A_430 = tpu.memref_slice %arg15[%dma_wait3A_428, %dma_wait3A_429] : memref<10240x64xf32, #tpu.memory_space<vmem_shared>> -> memref<10240x64xf32, #tpu.memory_space<vmem_shared>>
      tpu.wait_indirect_dma semaphore(%arg22 : memref<!tpu.dma_semaphore, #tpu.memory_space<semaphore_mem>>) src(%arg10 : memref<80x64xf32, #tpu.memory_space<vmem>>) dst(%dma_wait3A_430 : memref<10240x64xf32, #tpu.memory_space<vmem_shared>>)
      %add3A_431 = arith.constant 5 : i32
      %add3A_432 = arith.addi %add3A_424, %add3A_431 : i32
      %mul3A_433 = arith.constant 80 : i32
      %mul3A_434 = arith.muli %add3A_432, %mul3A_433 : i32
      %multiple_of3A_435 = tpu.assume_multiple %mul3A_434, 80 : i32
      %dma_start3A_436 = tpu.memref_slice %arg7[%multiple_of3A_435] : memref<10000xi32, #tpu.memory_space<vmem>> -> memref<80xi32, #tpu.memory_space<vmem>>
      %dma_start3A_437 = arith.constant 0 : i32
      %dma_start3A_438 = arith.constant 0 : i32
      %dma_start3A_439 = tpu.memref_slice %arg3[%dma_start3A_437, %dma_start3A_438] : memref<10000x64xf32, #tpu.memory_space<hbm>> -> memref<10000x64xf32, #tpu.memory_space<hbm>>
      tpu.enqueue_indirect_dma source(%dma_start3A_439 : memref<10000x64xf32, #tpu.memory_space<hbm>>) target(%arg10 : memref<80x64xf32, #tpu.memory_space<vmem>>) offsets(%dma_start3A_436 : memref<80xi32, #tpu.memory_space<vmem>>) semaphore(%arg17 : memref<!tpu.dma_semaphore, #tpu.memory_space<semaphore_mem>>)
      %mul3A_440 = arith.constant 5 : i32
      %mul3A_441 = arith.muli %mul3A_440, %scan3A_310 : i32
      %add3A_442 = arith.constant 2 : i32
      %add3A_443 = arith.addi %mul3A_441, %add3A_442 : i32
      %multiple_of3A_444 = arith.constant 0 : i32
      %multiple_of3A_445 = tpu.assume_multiple %multiple_of3A_444, 80 : i32
      %dma_wait3A_446 = tpu.memref_slice %arg8[%multiple_of3A_445] : memref<10000xi32, #tpu.memory_space<vmem>> -> memref<80xi32, #tpu.memory_space<vmem>>
      %dma_wait3A_447 = arith.constant 0 : i32
      %dma_wait3A_448 = arith.constant 0 : i32
      %dma_wait3A_449 = tpu.memref_slice %arg15[%dma_wait3A_447, %dma_wait3A_448] : memref<10240x64xf32, #tpu.memory_space<vmem_shared>> -> memref<10240x64xf32, #tpu.memory_space<vmem_shared>>
      tpu.wait_indirect_dma semaphore(%arg23 : memref<!tpu.dma_semaphore, #tpu.memory_space<semaphore_mem>>) src(%arg11 : memref<80x64xf32, #tpu.memory_space<vmem>>) dst(%dma_wait3A_449 : memref<10240x64xf32, #tpu.memory_space<vmem_shared>>)
      %add3A_450 = arith.constant 5 : i32
      %add3A_451 = arith.addi %add3A_443, %add3A_450 : i32
      %mul3A_452 = arith.constant 80 : i32
      %mul3A_453 = arith.muli %add3A_451, %mul3A_452 : i32
      %multiple_of3A_454 = tpu.assume_multiple %mul3A_453, 80 : i32
      %dma_start3A_455 = tpu.memref_slice %arg7[%multiple_of3A_454] : memref<10000xi32, #tpu.memory_space<vmem>> -> memref<80xi32, #tpu.memory_space<vmem>>
      %dma_start3A_456 = arith.constant 0 : i32
      %dma_start3A_457 = arith.constant 0 : i32
      %dma_start3A_458 = tpu.memref_slice %arg3[%dma_start3A_456, %dma_start3A_457] : memref<10000x64xf32, #tpu.memory_space<hbm>> -> memref<10000x64xf32, #tpu.memory_space<hbm>>
      tpu.enqueue_indirect_dma source(%dma_start3A_458 : memref<10000x64xf32, #tpu.memory_space<hbm>>) target(%arg11 : memref<80x64xf32, #tpu.memory_space<vmem>>) offsets(%dma_start3A_455 : memref<80xi32, #tpu.memory_space<vmem>>) semaphore(%arg18 : memref<!tpu.dma_semaphore, #tpu.memory_space<semaphore_mem>>)
      %mul3A_459 = arith.constant 5 : i32
      %mul3A_460 = arith.muli %mul3A_459, %scan3A_310 : i32
      %add3A_461 = arith.constant 3 : i32
      %add3A_462 = arith.addi %mul3A_460, %add3A_461 : i32
      %multiple_of3A_463 = arith.constant 0 : i32
      %multiple_of3A_464 = tpu.assume_multiple %multiple_of3A_463, 80 : i32
      %dma_wait3A_465 = tpu.memref_slice %arg8[%multiple_of3A_464] : memref<10000xi32, #tpu.memory_space<vmem>> -> memref<80xi32, #tpu.memory_space<vmem>>
      %dma_wait3A_466 = arith.constant 0 : i32
      %dma_wait3A_467 = arith.constant 0 : i32
      %dma_wait3A_468 = tpu.memref_slice %arg15[%dma_wait3A_466, %dma_wait3A_467] : memref<10240x64xf32, #tpu.memory_space<vmem_shared>> -> memref<10240x64xf32, #tpu.memory_space<vmem_shared>>
      tpu.wait_indirect_dma semaphore(%arg24 : memref<!tpu.dma_semaphore, #tpu.memory_space<semaphore_mem>>) src(%arg12 : memref<80x64xf32, #tpu.memory_space<vmem>>) dst(%dma_wait3A_468 : memref<10240x64xf32, #tpu.memory_space<vmem_shared>>)
      %add3A_469 = arith.constant 5 : i32
      %add3A_470 = arith.addi %add3A_462, %add3A_469 : i32
      %mul3A_471 = arith.constant 80 : i32
      %mul3A_472 = arith.muli %add3A_470, %mul3A_471 : i32
      %multiple_of3A_473 = tpu.assume_multiple %mul3A_472, 80 : i32
      %dma_start3A_474 = tpu.memref_slice %arg7[%multiple_of3A_473] : memref<10000xi32, #tpu.memory_space<vmem>> -> memref<80xi32, #tpu.memory_space<vmem>>
      %dma_start3A_475 = arith.constant 0 : i32
      %dma_start3A_476 = arith.constant 0 : i32
      %dma_start3A_477 = tpu.memref_slice %arg3[%dma_start3A_475, %dma_start3A_476] : memref<10000x64xf32, #tpu.memory_space<hbm>> -> memref<10000x64xf32, #tpu.memory_space<hbm>>
      tpu.enqueue_indirect_dma source(%dma_start3A_477 : memref<10000x64xf32, #tpu.memory_space<hbm>>) target(%arg12 : memref<80x64xf32, #tpu.memory_space<vmem>>) offsets(%dma_start3A_474 : memref<80xi32, #tpu.memory_space<vmem>>) semaphore(%arg19 : memref<!tpu.dma_semaphore, #tpu.memory_space<semaphore_mem>>)
      %mul3A_478 = arith.constant 5 : i32
      %mul3A_479 = arith.muli %mul3A_478, %scan3A_310 : i32
      %add3A_480 = arith.constant 4 : i32
      %add3A_481 = arith.addi %mul3A_479, %add3A_480 : i32
      %multiple_of3A_482 = arith.constant 0 : i32
      %multiple_of3A_483 = tpu.assume_multiple %multiple_of3A_482, 80 : i32
      %dma_wait3A_484 = tpu.memref_slice %arg8[%multiple_of3A_483] : memref<10000xi32, #tpu.memory_space<vmem>> -> memref<80xi32, #tpu.memory_space<vmem>>
      %dma_wait3A_485 = arith.constant 0 : i32
      %dma_wait3A_486 = arith.constant 0 : i32
      %dma_wait3A_487 = tpu.memref_slice %arg15[%dma_wait3A_485, %dma_wait3A_486] : memref<10240x64xf32, #tpu.memory_space<vmem_shared>> -> memref<10240x64xf32, #tpu.memory_space<vmem_shared>>
      tpu.wait_indirect_dma semaphore(%arg25 : memref<!tpu.dma_semaphore, #tpu.memory_space<semaphore_mem>>) src(%arg13 : memref<80x64xf32, #tpu.memory_space<vmem>>) dst(%dma_wait3A_487 : memref<10240x64xf32, #tpu.memory_space<vmem_shared>>)
      %add3A_488 = arith.constant 5 : i32
      %add3A_489 = arith.addi %add3A_481, %add3A_488 : i32
      %mul3A_490 = arith.constant 80 : i32
      %mul3A_491 = arith.muli %add3A_489, %mul3A_490 : i32
      %multiple_of3A_492 = tpu.assume_multiple %mul3A_491, 80 : i32
      %dma_start3A_493 = tpu.memref_slice %arg7[%multiple_of3A_492] : memref<10000xi32, #tpu.memory_space<vmem>> -> memref<80xi32, #tpu.memory_space<vmem>>
      %dma_start3A_494 = arith.constant 0 : i32
      %dma_start3A_495 = arith.constant 0 : i32
      %dma_start3A_496 = tpu.memref_slice %arg3[%dma_start3A_494, %dma_start3A_495] : memref<10000x64xf32, #tpu.memory_space<hbm>> -> memref<10000x64xf32, #tpu.memory_space<hbm>>
      tpu.enqueue_indirect_dma source(%dma_start3A_496 : memref<10000x64xf32, #tpu.memory_space<hbm>>) target(%arg13 : memref<80x64xf32, #tpu.memory_space<vmem>>) offsets(%dma_start3A_493 : memref<80xi32, #tpu.memory_space<vmem>>) semaphore(%arg20 : memref<!tpu.dma_semaphore, #tpu.memory_space<semaphore_mem>>)
      %scan3A_497 = arith.constant 0 : i32
      scf.yield %scan3A_497 : i32
    }
    %scan3A_216 = arith.constant 24 : i32
    %multiple_of3A_217 = arith.constant 9600 : i32
    %multiple_of3A_218 = tpu.assume_multiple %multiple_of3A_217, 80 : i32
    %dma_wait3A_219 = tpu.memref_slice %arg7[%multiple_of3A_218] : memref<10000xi32, #tpu.memory_space<vmem>> -> memref<80xi32, #tpu.memory_space<vmem>>
    %dma_wait3A_220 = arith.constant 0 : i32
    %dma_wait3A_221 = arith.constant 0 : i32
    %dma_wait3A_222 = tpu.memref_slice %arg3[%dma_wait3A_220, %dma_wait3A_221] : memref<10000x64xf32, #tpu.memory_space<hbm>> -> memref<10000x64xf32, #tpu.memory_space<hbm>>
    tpu.wait_indirect_dma semaphore(%arg16 : memref<!tpu.dma_semaphore, #tpu.memory_space<semaphore_mem>>) src(%dma_wait3A_222 : memref<10000x64xf32, #tpu.memory_space<hbm>>) dst(%arg9 : memref<80x64xf32, #tpu.memory_space<vmem>>)
    %multiple_of3A_223 = arith.constant 9600 : i32
    %multiple_of3A_224 = tpu.assume_multiple %multiple_of3A_223, 80 : i32
    %dma_start3A_225 = tpu.memref_slice %arg8[%multiple_of3A_224] : memref<10000xi32, #tpu.memory_space<vmem>> -> memref<80xi32, #tpu.memory_space<vmem>>
    %dma_start3A_226 = arith.constant 0 : i32
    %dma_start3A_227 = arith.constant 0 : i32
    %dma_start3A_228 = tpu.memref_slice %arg15[%dma_start3A_226, %dma_start3A_227] : memref<10240x64xf32, #tpu.memory_space<vmem_shared>> -> memref<10240x64xf32, #tpu.memory_space<vmem_shared>>
    tpu.enqueue_indirect_dma source(%arg9 : memref<80x64xf32, #tpu.memory_space<vmem>>) target(%dma_start3A_228 : memref<10240x64xf32, #tpu.memory_space<vmem_shared>>) offsets(%dma_start3A_225 : memref<80xi32, #tpu.memory_space<vmem>>) semaphore(%arg21 : memref<!tpu.dma_semaphore, #tpu.memory_space<semaphore_mem>>) {add = true}
    %multiple_of3A_229 = arith.constant 9680 : i32
    %multiple_of3A_230 = tpu.assume_multiple %multiple_of3A_229, 80 : i32
    %dma_wait3A_231 = tpu.memref_slice %arg7[%multiple_of3A_230] : memref<10000xi32, #tpu.memory_space<vmem>> -> memref<80xi32, #tpu.memory_space<vmem>>
    %dma_wait3A_232 = arith.constant 0 : i32
    %dma_wait3A_233 = arith.constant 0 : i32
    %dma_wait3A_234 = tpu.memref_slice %arg3[%dma_wait3A_232, %dma_wait3A_233] : memref<10000x64xf32, #tpu.memory_space<hbm>> -> memref<10000x64xf32, #tpu.memory_space<hbm>>
    tpu.wait_indirect_dma semaphore(%arg17 : memref<!tpu.dma_semaphore, #tpu.memory_space<semaphore_mem>>) src(%dma_wait3A_234 : memref<10000x64xf32, #tpu.memory_space<hbm>>) dst(%arg10 : memref<80x64xf32, #tpu.memory_space<vmem>>)
    %multiple_of3A_235 = arith.constant 9680 : i32
    %multiple_of3A_236 = tpu.assume_multiple %multiple_of3A_235, 80 : i32
    %dma_start3A_237 = tpu.memref_slice %arg8[%multiple_of3A_236] : memref<10000xi32, #tpu.memory_space<vmem>> -> memref<80xi32, #tpu.memory_space<vmem>>
    %dma_start3A_238 = arith.constant 0 : i32
    %dma_start3A_239 = arith.constant 0 : i32
    %dma_start3A_240 = tpu.memref_slice %arg15[%dma_start3A_238, %dma_start3A_239] : memref<10240x64xf32, #tpu.memory_space<vmem_shared>> -> memref<10240x64xf32, #tpu.memory_space<vmem_shared>>
    tpu.enqueue_indirect_dma source(%arg10 : memref<80x64xf32, #tpu.memory_space<vmem>>) target(%dma_start3A_240 : memref<10240x64xf32, #tpu.memory_space<vmem_shared>>) offsets(%dma_start3A_237 : memref<80xi32, #tpu.memory_space<vmem>>) semaphore(%arg22 : memref<!tpu.dma_semaphore, #tpu.memory_space<semaphore_mem>>) {add = true}
    %multiple_of3A_241 = arith.constant 9760 : i32
    %multiple_of3A_242 = tpu.assume_multiple %multiple_of3A_241, 80 : i32
    %dma_wait3A_243 = tpu.memref_slice %arg7[%multiple_of3A_242] : memref<10000xi32, #tpu.memory_space<vmem>> -> memref<80xi32, #tpu.memory_space<vmem>>
    %dma_wait3A_244 = arith.constant 0 : i32
    %dma_wait3A_245 = arith.constant 0 : i32
    %dma_wait3A_246 = tpu.memref_slice %arg3[%dma_wait3A_244, %dma_wait3A_245] : memref<10000x64xf32, #tpu.memory_space<hbm>> -> memref<10000x64xf32, #tpu.memory_space<hbm>>
    tpu.wait_indirect_dma semaphore(%arg18 : memref<!tpu.dma_semaphore, #tpu.memory_space<semaphore_mem>>) src(%dma_wait3A_246 : memref<10000x64xf32, #tpu.memory_space<hbm>>) dst(%arg11 : memref<80x64xf32, #tpu.memory_space<vmem>>)
    %multiple_of3A_247 = arith.constant 9760 : i32
    %multiple_of3A_248 = tpu.assume_multiple %multiple_of3A_247, 80 : i32
    %dma_start3A_249 = tpu.memref_slice %arg8[%multiple_of3A_248] : memref<10000xi32, #tpu.memory_space<vmem>> -> memref<80xi32, #tpu.memory_space<vmem>>
    %dma_start3A_250 = arith.constant 0 : i32
    %dma_start3A_251 = arith.constant 0 : i32
    %dma_start3A_252 = tpu.memref_slice %arg15[%dma_start3A_250, %dma_start3A_251] : memref<10240x64xf32, #tpu.memory_space<vmem_shared>> -> memref<10240x64xf32, #tpu.memory_space<vmem_shared>>
    tpu.enqueue_indirect_dma source(%arg11 : memref<80x64xf32, #tpu.memory_space<vmem>>) target(%dma_start3A_252 : memref<10240x64xf32, #tpu.memory_space<vmem_shared>>) offsets(%dma_start3A_249 : memref<80xi32, #tpu.memory_space<vmem>>) semaphore(%arg23 : memref<!tpu.dma_semaphore, #tpu.memory_space<semaphore_mem>>) {add = true}
    %multiple_of3A_253 = arith.constant 9840 : i32
    %multiple_of3A_254 = tpu.assume_multiple %multiple_of3A_253, 80 : i32
    %dma_wait3A_255 = tpu.memref_slice %arg7[%multiple_of3A_254] : memref<10000xi32, #tpu.memory_space<vmem>> -> memref<80xi32, #tpu.memory_space<vmem>>
    %dma_wait3A_256 = arith.constant 0 : i32
    %dma_wait3A_257 = arith.constant 0 : i32
    %dma_wait3A_258 = tpu.memref_slice %arg3[%dma_wait3A_256, %dma_wait3A_257] : memref<10000x64xf32, #tpu.memory_space<hbm>> -> memref<10000x64xf32, #tpu.memory_space<hbm>>
    tpu.wait_indirect_dma semaphore(%arg19 : memref<!tpu.dma_semaphore, #tpu.memory_space<semaphore_mem>>) src(%dma_wait3A_258 : memref<10000x64xf32, #tpu.memory_space<hbm>>) dst(%arg12 : memref<80x64xf32, #tpu.memory_space<vmem>>)
    %multiple_of3A_259 = arith.constant 9840 : i32
    %multiple_of3A_260 = tpu.assume_multiple %multiple_of3A_259, 80 : i32
    %dma_start3A_261 = tpu.memref_slice %arg8[%multiple_of3A_260] : memref<10000xi32, #tpu.memory_space<vmem>> -> memref<80xi32, #tpu.memory_space<vmem>>
    %dma_start3A_262 = arith.constant 0 : i32
    %dma_start3A_263 = arith.constant 0 : i32
    %dma_start3A_264 = tpu.memref_slice %arg15[%dma_start3A_262, %dma_start3A_263] : memref<10240x64xf32, #tpu.memory_space<vmem_shared>> -> memref<10240x64xf32, #tpu.memory_space<vmem_shared>>
    tpu.enqueue_indirect_dma source(%arg12 : memref<80x64xf32, #tpu.memory_space<vmem>>) target(%dma_start3A_264 : memref<10240x64xf32, #tpu.memory_space<vmem_shared>>) offsets(%dma_start3A_261 : memref<80xi32, #tpu.memory_space<vmem>>) semaphore(%arg24 : memref<!tpu.dma_semaphore, #tpu.memory_space<semaphore_mem>>) {add = true}
    %multiple_of3A_265 = arith.constant 9920 : i32
    %multiple_of3A_266 = tpu.assume_multiple %multiple_of3A_265, 80 : i32
    %dma_wait3A_267 = tpu.memref_slice %arg7[%multiple_of3A_266] : memref<10000xi32, #tpu.memory_space<vmem>> -> memref<80xi32, #tpu.memory_space<vmem>>
    %dma_wait3A_268 = arith.constant 0 : i32
    %dma_wait3A_269 = arith.constant 0 : i32
    %dma_wait3A_270 = tpu.memref_slice %arg3[%dma_wait3A_268, %dma_wait3A_269] : memref<10000x64xf32, #tpu.memory_space<hbm>> -> memref<10000x64xf32, #tpu.memory_space<hbm>>
    tpu.wait_indirect_dma semaphore(%arg20 : memref<!tpu.dma_semaphore, #tpu.memory_space<semaphore_mem>>) src(%dma_wait3A_270 : memref<10000x64xf32, #tpu.memory_space<hbm>>) dst(%arg13 : memref<80x64xf32, #tpu.memory_space<vmem>>)
    %multiple_of3A_271 = arith.constant 9920 : i32
    %multiple_of3A_272 = tpu.assume_multiple %multiple_of3A_271, 80 : i32
    %dma_start3A_273 = tpu.memref_slice %arg8[%multiple_of3A_272] : memref<10000xi32, #tpu.memory_space<vmem>> -> memref<80xi32, #tpu.memory_space<vmem>>
    %dma_start3A_274 = arith.constant 0 : i32
    %dma_start3A_275 = arith.constant 0 : i32
    %dma_start3A_276 = tpu.memref_slice %arg15[%dma_start3A_274, %dma_start3A_275] : memref<10240x64xf32, #tpu.memory_space<vmem_shared>> -> memref<10240x64xf32, #tpu.memory_space<vmem_shared>>
    tpu.enqueue_indirect_dma source(%arg13 : memref<80x64xf32, #tpu.memory_space<vmem>>) target(%dma_start3A_276 : memref<10240x64xf32, #tpu.memory_space<vmem_shared>>) offsets(%dma_start3A_273 : memref<80xi32, #tpu.memory_space<vmem>>) semaphore(%arg25 : memref<!tpu.dma_semaphore, #tpu.memory_space<semaphore_mem>>) {add = true}
    %multiple_of3A_277 = arith.constant 0 : i32
    %multiple_of3A_278 = tpu.assume_multiple %multiple_of3A_277, 80 : i32
    %dma_wait3A_279 = tpu.memref_slice %arg8[%multiple_of3A_278] : memref<10000xi32, #tpu.memory_space<vmem>> -> memref<80xi32, #tpu.memory_space<vmem>>
    %dma_wait3A_280 = arith.constant 0 : i32
    %dma_wait3A_281 = arith.constant 0 : i32
    %dma_wait3A_282 = tpu.memref_slice %arg15[%dma_wait3A_280, %dma_wait3A_281] : memref<10240x64xf32, #tpu.memory_space<vmem_shared>> -> memref<10240x64xf32, #tpu.memory_space<vmem_shared>>
    tpu.wait_indirect_dma semaphore(%arg21 : memref<!tpu.dma_semaphore, #tpu.memory_space<semaphore_mem>>) src(%arg9 : memref<80x64xf32, #tpu.memory_space<vmem>>) dst(%dma_wait3A_282 : memref<10240x64xf32, #tpu.memory_space<vmem_shared>>)
    %multiple_of3A_283 = arith.constant 0 : i32
    %multiple_of3A_284 = tpu.assume_multiple %multiple_of3A_283, 80 : i32
    %dma_wait3A_285 = tpu.memref_slice %arg8[%multiple_of3A_284] : memref<10000xi32, #tpu.memory_space<vmem>> -> memref<80xi32, #tpu.memory_space<vmem>>
    %dma_wait3A_286 = arith.constant 0 : i32
    %dma_wait3A_287 = arith.constant 0 : i32
    %dma_wait3A_288 = tpu.memref_slice %arg15[%dma_wait3A_286, %dma_wait3A_287] : memref<10240x64xf32, #tpu.memory_space<vmem_shared>> -> memref<10240x64xf32, #tpu.memory_space<vmem_shared>>
    tpu.wait_indirect_dma semaphore(%arg22 : memref<!tpu.dma_semaphore, #tpu.memory_space<semaphore_mem>>) src(%arg10 : memref<80x64xf32, #tpu.memory_space<vmem>>) dst(%dma_wait3A_288 : memref<10240x64xf32, #tpu.memory_space<vmem_shared>>)
    %multiple_of3A_289 = arith.constant 0 : i32
    %multiple_of3A_290 = tpu.assume_multiple %multiple_of3A_289, 80 : i32
    %dma_wait3A_291 = tpu.memref_slice %arg8[%multiple_of3A_290] : memref<10000xi32, #tpu.memory_space<vmem>> -> memref<80xi32, #tpu.memory_space<vmem>>
    %dma_wait3A_292 = arith.constant 0 : i32
    %dma_wait3A_293 = arith.constant 0 : i32
    %dma_wait3A_294 = tpu.memref_slice %arg15[%dma_wait3A_292, %dma_wait3A_293] : memref<10240x64xf32, #tpu.memory_space<vmem_shared>> -> memref<10240x64xf32, #tpu.memory_space<vmem_shared>>
    tpu.wait_indirect_dma semaphore(%arg23 : memref<!tpu.dma_semaphore, #tpu.memory_space<semaphore_mem>>) src(%arg11 : memref<80x64xf32, #tpu.memory_space<vmem>>) dst(%dma_wait3A_294 : memref<10240x64xf32, #tpu.memory_space<vmem_shared>>)
    %multiple_of3A_295 = arith.constant 0 : i32
    %multiple_of3A_296 = tpu.assume_multiple %multiple_of3A_295, 80 : i32
    %dma_wait3A_297 = tpu.memref_slice %arg8[%multiple_of3A_296] : memref<10000xi32, #tpu.memory_space<vmem>> -> memref<80xi32, #tpu.memory_space<vmem>>
    %dma_wait3A_298 = arith.constant 0 : i32
    %dma_wait3A_299 = arith.constant 0 : i32
    %dma_wait3A_300 = tpu.memref_slice %arg15[%dma_wait3A_298, %dma_wait3A_299] : memref<10240x64xf32, #tpu.memory_space<vmem_shared>> -> memref<10240x64xf32, #tpu.memory_space<vmem_shared>>
    tpu.wait_indirect_dma semaphore(%arg24 : memref<!tpu.dma_semaphore, #tpu.memory_space<semaphore_mem>>) src(%arg12 : memref<80x64xf32, #tpu.memory_space<vmem>>) dst(%dma_wait3A_300 : memref<10240x64xf32, #tpu.memory_space<vmem_shared>>)
    %multiple_of3A_301 = arith.constant 0 : i32
    %multiple_of3A_302 = tpu.assume_multiple %multiple_of3A_301, 80 : i32
    %dma_wait3A_303 = tpu.memref_slice %arg8[%multiple_of3A_302] : memref<10000xi32, #tpu.memory_space<vmem>> -> memref<80xi32, #tpu.memory_space<vmem>>
    %dma_wait3A_304 = arith.constant 0 : i32
    %dma_wait3A_305 = arith.constant 0 : i32
    %dma_wait3A_306 = tpu.memref_slice %arg15[%dma_wait3A_304, %dma_wait3A_305] : memref<10240x64xf32, #tpu.memory_space<vmem_shared>> -> memref<10240x64xf32, #tpu.memory_space<vmem_shared>>
    tpu.wait_indirect_dma semaphore(%arg25 : memref<!tpu.dma_semaphore, #tpu.memory_space<semaphore_mem>>) src(%arg13 : memref<80x64xf32, #tpu.memory_space<vmem>>) dst(%dma_wait3A_306 : memref<10240x64xf32, #tpu.memory_space<vmem_shared>>)
    %barrier3A_307 = arith.constant 0 : index
    tpu.barrier barrier_id(%barrier3A_307)
    %mul3A_308 = arith.constant 640 : i32
    %mul3A_309 = arith.muli %arg1, %mul3A_308 : i32
    "tpu.region"() ({
      %run_scoped3A_310 = tpu.sem_alloc : memref<!tpu.dma_semaphore, #tpu.memory_space<semaphore_mem>>
      %dma_start3A_311 = arith.constant 0 : i32
      %dma_start3A_312 = tpu.memref_slice %arg6[%arg0, %mul3A_309, %dma_start3A_311] : memref<2x10240x64xf32, #tpu.memory_space<hbm>> -> memref<1x640x64xf32, #tpu.memory_space<hbm>>
      %dma_start3A_313 = tpu.memref_squeeze %dma_start3A_312 : memref<1x640x64xf32, #tpu.memory_space<hbm>> -> memref<640x64xf32, #tpu.memory_space<hbm>>
      %dma_start3A_314 = arith.constant 0 : i32
      %dma_start3A_315 = tpu.memref_slice %arg15[%mul3A_309, %dma_start3A_314] : memref<10240x64xf32, #tpu.memory_space<vmem_shared>> -> memref<640x64xf32, #tpu.memory_space<vmem_shared>>
      tpu.enqueue_dma source(%dma_start3A_315 : memref<640x64xf32, #tpu.memory_space<vmem_shared>>) target(%dma_start3A_313 : memref<640x64xf32, #tpu.memory_space<hbm>>) target_semaphore(%run_scoped3A_310 : memref<!tpu.dma_semaphore, #tpu.memory_space<semaphore_mem>>)
      %dma_wait3A_316 = arith.constant 0 : i32
      %dma_wait3A_317 = tpu.memref_slice %arg6[%arg0, %mul3A_309, %dma_wait3A_316] : memref<2x10240x64xf32, #tpu.memory_space<hbm>> -> memref<1x640x64xf32, #tpu.memory_space<hbm>>
      %dma_wait3A_318 = tpu.memref_squeeze %dma_wait3A_317 : memref<1x640x64xf32, #tpu.memory_space<hbm>> -> memref<640x64xf32, #tpu.memory_space<hbm>>
      %dma_wait3A_319 = arith.constant 0 : i32
      %dma_wait3A_320 = tpu.memref_slice %arg15[%mul3A_309, %dma_wait3A_319] : memref<10240x64xf32, #tpu.memory_space<vmem_shared>> -> memref<640x64xf32, #tpu.memory_space<vmem_shared>>
      tpu.wait_dma2 semaphore(%run_scoped3A_310 : memref<!tpu.dma_semaphore, #tpu.memory_space<semaphore_mem>>) src(%dma_wait3A_320 : memref<640x64xf32, #tpu.memory_space<vmem_shared>>) dst(%dma_wait3A_318 : memref<640x64xf32, #tpu.memory_space<hbm>>)
      tpu.yield
    }) : () -> ()
    return
  }
}

#map = affine_map<(d0, d1) -> (0, 0)>
#map1 = affine_map<(d0, d1) -> (0, 0, 0)>
module attributes {stable_mosaic.version = 14 : i64} {
  func.func @_deg_body(%arg0: i32, %arg1: i32, %arg2: memref<2x320000xi32, #tpu.memory_space<hbm>>, %arg3: memref<2x10240x16xf32, #tpu.memory_space<hbm>>, %arg4: memref<10000xi32, #tpu.memory_space<vmem>>, %arg5: memref<80x16xf32, #tpu.memory_space<vmem>>, %arg6: memref<640x16xf32, #tpu.memory_space<vmem>>, %arg7: memref<10240x16xf32, #tpu.memory_space<vmem_shared>>, %arg8: memref<!tpu.dma_semaphore, #tpu.memory_space<semaphore_mem>>) attributes {dimension_semantics = [#tpu.dimension_semantics<core_parallel>, #tpu.dimension_semantics<subcore_parallel>], iteration_bounds = array<i64: 2, 16>, scalar_prefetch = 0 : i64, scratch_operands = 5 : i64, tpu.core_type = #tpu.core_type<sc_vector_subcore>, window_params = [{transform_indices = #map}, {transform_indices = #map1}]} {
    %mul3A = arith.constant 16 : i32
    %mul3A_0 = arith.muli %arg0, %mul3A : i32
    %add3A = arith.addi %mul3A_0, %arg1 : i32
    %scan3A = arith.constant 0 : i32
    %scan3A_1 = arith.constant 0 : i32
    %scan3A_2 = arith.constant 80 : i32
    %scan3A_3 = arith.addi %scan3A_1, %scan3A_2 : i32
    %scan3A_4 = arith.constant 1 : i32
    %scan3A_5 = scf.for %scan3A_37 = %scan3A_1 to %scan3A_3 step %scan3A_4 iter_args(%scan3A_38 = %scan3A) -> (i32)  : i32 {
      %broadcast_in_dim3A = arith.constant 1.000000e+00 : f32
      %broadcast_in_dim3A_39 = vector.broadcast %broadcast_in_dim3A : f32 to vector<16xf32>
      %swap3A = arith.index_cast %scan3A_37 : i32 to index
      %swap3A_40 = arith.constant 0 : index
      %swap3A_41 = tpu.vector_load %arg5[%swap3A, %swap3A_40] {strides = array<i32>} : memref<80x16xf32, #tpu.memory_space<vmem>>, vector<1x16xf32>,
      %swap3A_42 = vector.shape_cast %swap3A_41 : vector<1x16xf32> to vector<16xf32>
      %swap3A_43 = vector.shape_cast %broadcast_in_dim3A_39 : vector<16xf32> to vector<1x16xf32>
      tpu.vector_store %arg5[%swap3A, %swap3A_40], %swap3A_43 {strides = array<i32>} : memref<80x16xf32, #tpu.memory_space<vmem>>, vector<1x16xf32>,
      %scan3A_44 = arith.constant 0 : i32
      scf.yield %scan3A_44 : i32
    }
    %scan3A_6 = arith.constant 80 : i32
    %scan3A_7 = arith.constant 0 : i32
    %scan3A_8 = arith.constant 0 : i32
    %scan3A_9 = arith.constant 640 : i32
    %scan3A_10 = arith.addi %scan3A_8, %scan3A_9 : i32
    %scan3A_11 = arith.constant 1 : i32
    %scan3A_12 = scf.for %scan3A_37 = %scan3A_8 to %scan3A_10 step %scan3A_11 iter_args(%scan3A_38 = %scan3A_7) -> (i32)  : i32 {
      %broadcast_in_dim3A = arith.constant 0.000000e+00 : f32
      %broadcast_in_dim3A_39 = vector.broadcast %broadcast_in_dim3A : f32 to vector<16xf32>
      %swap3A = arith.index_cast %scan3A_37 : i32 to index
      %swap3A_40 = arith.constant 0 : index
      %swap3A_41 = tpu.vector_load %arg6[%swap3A, %swap3A_40] {strides = array<i32>} : memref<640x16xf32, #tpu.memory_space<vmem>>, vector<1x16xf32>,
      %swap3A_42 = vector.shape_cast %swap3A_41 : vector<1x16xf32> to vector<16xf32>
      %swap3A_43 = vector.shape_cast %broadcast_in_dim3A_39 : vector<16xf32> to vector<1x16xf32>
      tpu.vector_store %arg6[%swap3A, %swap3A_40], %swap3A_43 {strides = array<i32>} : memref<640x16xf32, #tpu.memory_space<vmem>>, vector<1x16xf32>,
      %scan3A_44 = arith.constant 0 : i32
      scf.yield %scan3A_44 : i32
    }
    %scan3A_13 = arith.constant 640 : i32
    %mul3A_14 = arith.constant 640 : i32
    %mul3A_15 = arith.muli %arg1, %mul3A_14 : i32
    "tpu.region"() ({
      %run_scoped3A_37 = tpu.sem_alloc : memref<!tpu.dma_semaphore, #tpu.memory_space<semaphore_mem>>
      %dma_start3A = arith.constant 0 : i32
      %dma_start3A_38 = tpu.memref_slice %arg7[%mul3A_15, %dma_start3A] : memref<10240x16xf32, #tpu.memory_space<vmem_shared>> -> memref<640x16xf32, #tpu.memory_space<vmem_shared>>
      %dma_start3A_39 = arith.constant 0 : i32
      %dma_start3A_40 = tpu.memref_slice %arg7[%mul3A_15, %dma_start3A_39] : memref<10240x16xf32, #tpu.memory_space<vmem_shared>> -> memref<640x16xf32, #tpu.memory_space<vmem_shared>>
      tpu.enqueue_dma source(%arg6 : memref<640x16xf32, #tpu.memory_space<vmem>>) target(%dma_start3A_40 : memref<640x16xf32, #tpu.memory_space<vmem_shared>>) target_semaphore(%run_scoped3A_37 : memref<!tpu.dma_semaphore, #tpu.memory_space<semaphore_mem>>)
      %dma_wait3A = arith.constant 0 : i32
      %dma_wait3A_41 = tpu.memref_slice %arg7[%mul3A_15, %dma_wait3A] : memref<10240x16xf32, #tpu.memory_space<vmem_shared>> -> memref<640x16xf32, #tpu.memory_space<vmem_shared>>
      %dma_wait3A_42 = arith.constant 0 : i32
      %dma_wait3A_43 = tpu.memref_slice %arg7[%mul3A_15, %dma_wait3A_42] : memref<10240x16xf32, #tpu.memory_space<vmem_shared>> -> memref<640x16xf32, #tpu.memory_space<vmem_shared>>
      tpu.wait_dma2 semaphore(%run_scoped3A_37 : memref<!tpu.dma_semaphore, #tpu.memory_space<semaphore_mem>>) src(%arg6 : memref<640x16xf32, #tpu.memory_space<vmem>>) dst(%dma_wait3A_43 : memref<640x16xf32, #tpu.memory_space<vmem_shared>>)
      tpu.yield
    }) : () -> ()
    %barrier3A = arith.constant 0 : index
    tpu.barrier barrier_id(%barrier3A)
    %mul3A_16 = arith.constant 10000 : i32
    %mul3A_17 = arith.muli %add3A, %mul3A_16 : i32
    %run_scoped3A = arith.constant 1 : i32
    "tpu.region"() ({
      %run_scoped3A_37 = tpu.sem_alloc : memref<!tpu.dma_semaphore, #tpu.memory_space<semaphore_mem>>
      %dma_start3A = tpu.memref_slice %arg2[%run_scoped3A, %mul3A_17] : memref<2x320000xi32, #tpu.memory_space<hbm>> -> memref<1x10000xi32, #tpu.memory_space<hbm>>
      %dma_start3A_38 = tpu.memref_squeeze %dma_start3A : memref<1x10000xi32, #tpu.memory_space<hbm>> -> memref<10000xi32, #tpu.memory_space<hbm>>
      %dma_start3A_39 = tpu.memref_slice %arg2[%run_scoped3A, %mul3A_17] : memref<2x320000xi32, #tpu.memory_space<hbm>> -> memref<1x10000xi32, #tpu.memory_space<hbm>>
      %dma_start3A_40 = tpu.memref_squeeze %dma_start3A_39 : memref<1x10000xi32, #tpu.memory_space<hbm>> -> memref<10000xi32, #tpu.memory_space<hbm>>
      tpu.enqueue_dma source(%dma_start3A_40 : memref<10000xi32, #tpu.memory_space<hbm>>) target(%arg4 : memref<10000xi32, #tpu.memory_space<vmem>>) target_semaphore(%run_scoped3A_37 : memref<!tpu.dma_semaphore, #tpu.memory_space<semaphore_mem>>)
      %dma_wait3A = tpu.memref_slice %arg2[%run_scoped3A, %mul3A_17] : memref<2x320000xi32, #tpu.memory_space<hbm>> -> memref<1x10000xi32, #tpu.memory_space<hbm>>
      %dma_wait3A_41 = tpu.memref_squeeze %dma_wait3A : memref<1x10000xi32, #tpu.memory_space<hbm>> -> memref<10000xi32, #tpu.memory_space<hbm>>
      %dma_wait3A_42 = tpu.memref_slice %arg2[%run_scoped3A, %mul3A_17] : memref<2x320000xi32, #tpu.memory_space<hbm>> -> memref<1x10000xi32, #tpu.memory_space<hbm>>
      %dma_wait3A_43 = tpu.memref_squeeze %dma_wait3A_42 : memref<1x10000xi32, #tpu.memory_space<hbm>> -> memref<10000xi32, #tpu.memory_space<hbm>>
      tpu.wait_dma2 semaphore(%run_scoped3A_37 : memref<!tpu.dma_semaphore, #tpu.memory_space<semaphore_mem>>) src(%dma_wait3A_43 : memref<10000xi32, #tpu.memory_space<hbm>>) dst(%arg4 : memref<10000xi32, #tpu.memory_space<vmem>>)
      tpu.yield
    }) : () -> ()
    %scan3A_18 = arith.constant 0 : i32
    %scan3A_19 = arith.constant 0 : i32
    %scan3A_20 = arith.constant 125 : i32
    %scan3A_21 = arith.addi %scan3A_19, %scan3A_20 : i32
    %scan3A_22 = arith.constant 1 : i32
    %scan3A_23 = scf.for %scan3A_37 = %scan3A_19 to %scan3A_21 step %scan3A_22 iter_args(%scan3A_38 = %scan3A_18) -> (i32)  : i32 {
      %mul3A_39 = arith.constant 80 : i32
      %mul3A_40 = arith.muli %scan3A_37, %mul3A_39 : i32
      %dma_start3A = tpu.memref_slice %arg4[%mul3A_40] : memref<10000xi32, #tpu.memory_space<vmem>> -> memref<80xi32, #tpu.memory_space<vmem>>
      %dma_start3A_41 = arith.constant 0 : i32
      %dma_start3A_42 = arith.constant 0 : i32
      %dma_start3A_43 = tpu.memref_slice %arg7[%dma_start3A_41, %dma_start3A_42] : memref<10240x16xf32, #tpu.memory_space<vmem_shared>> -> memref<10240x16xf32, #tpu.memory_space<vmem_shared>>
      tpu.enqueue_indirect_dma source(%arg5 : memref<80x16xf32, #tpu.memory_space<vmem>>) target(%dma_start3A_43 : memref<10240x16xf32, #tpu.memory_space<vmem_shared>>) offsets(%dma_start3A : memref<80xi32, #tpu.memory_space<vmem>>) semaphore(%arg8 : memref<!tpu.dma_semaphore, #tpu.memory_space<semaphore_mem>>) {add = true}
      %scan3A_44 = arith.constant 0 : i32
      scf.yield %scan3A_44 : i32
    }
    %scan3A_24 = arith.constant 125 : i32
    %scan3A_25 = arith.constant 0 : i32
    %scan3A_26 = arith.constant 0 : i32
    %scan3A_27 = arith.constant 125 : i32
    %scan3A_28 = arith.addi %scan3A_26, %scan3A_27 : i32
    %scan3A_29 = arith.constant 1 : i32
    %scan3A_30 = scf.for %scan3A_37 = %scan3A_26 to %scan3A_28 step %scan3A_29 iter_args(%scan3A_38 = %scan3A_25) -> (i32)  : i32 {
      %dma_wait3A = arith.constant 0 : i32
      %dma_wait3A_39 = tpu.memref_slice %arg4[%dma_wait3A] : memref<10000xi32, #tpu.memory_space<vmem>> -> memref<80xi32, #tpu.memory_space<vmem>>
      %dma_wait3A_40 = arith.constant 0 : i32
      %dma_wait3A_41 = arith.constant 0 : i32
      %dma_wait3A_42 = tpu.memref_slice %arg7[%dma_wait3A_40, %dma_wait3A_41] : memref<10240x16xf32, #tpu.memory_space<vmem_shared>> -> memref<10240x16xf32, #tpu.memory_space<vmem_shared>>
      tpu.wait_indirect_dma semaphore(%arg8 : memref<!tpu.dma_semaphore, #tpu.memory_space<semaphore_mem>>) src(%arg5 : memref<80x16xf32, #tpu.memory_space<vmem>>) dst(%dma_wait3A_42 : memref<10240x16xf32, #tpu.memory_space<vmem_shared>>)
      %scan3A_43 = arith.constant 0 : i32
      scf.yield %scan3A_43 : i32
    }
    %scan3A_31 = arith.constant 125 : i32
    %barrier3A_32 = arith.constant 0 : index
    tpu.barrier barrier_id(%barrier3A_32)
    %mul3A_33 = arith.constant 640 : i32
    %mul3A_34 = arith.muli %arg1, %mul3A_33 : i32
    "tpu.region"() ({
      %run_scoped3A_37 = tpu.sem_alloc : memref<!tpu.dma_semaphore, #tpu.memory_space<semaphore_mem>>
      %dma_start3A = arith.constant 0 : i32
      %dma_start3A_38 = tpu.memref_slice %arg7[%mul3A_34, %dma_start3A] : memref<10240x16xf32, #tpu.memory_space<vmem_shared>> -> memref<640x16xf32, #tpu.memory_space<vmem_shared>>
      %dma_start3A_39 = arith.constant 0 : i32
      %dma_start3A_40 = tpu.memref_slice %arg7[%mul3A_34, %dma_start3A_39] : memref<10240x16xf32, #tpu.memory_space<vmem_shared>> -> memref<640x16xf32, #tpu.memory_space<vmem_shared>>
      tpu.enqueue_dma source(%dma_start3A_40 : memref<640x16xf32, #tpu.memory_space<vmem_shared>>) target(%arg6 : memref<640x16xf32, #tpu.memory_space<vmem>>) target_semaphore(%run_scoped3A_37 : memref<!tpu.dma_semaphore, #tpu.memory_space<semaphore_mem>>)
      %dma_wait3A = arith.constant 0 : i32
      %dma_wait3A_41 = tpu.memref_slice %arg7[%mul3A_34, %dma_wait3A] : memref<10240x16xf32, #tpu.memory_space<vmem_shared>> -> memref<640x16xf32, #tpu.memory_space<vmem_shared>>
      %dma_wait3A_42 = arith.constant 0 : i32
      %dma_wait3A_43 = tpu.memref_slice %arg7[%mul3A_34, %dma_wait3A_42] : memref<10240x16xf32, #tpu.memory_space<vmem_shared>> -> memref<640x16xf32, #tpu.memory_space<vmem_shared>>
      tpu.wait_dma2 semaphore(%run_scoped3A_37 : memref<!tpu.dma_semaphore, #tpu.memory_space<semaphore_mem>>) src(%dma_wait3A_43 : memref<640x16xf32, #tpu.memory_space<vmem_shared>>) dst(%arg6 : memref<640x16xf32, #tpu.memory_space<vmem>>)
      tpu.yield
    }) : () -> ()
    %mul3A_35 = arith.constant 640 : i32
    %mul3A_36 = arith.muli %arg1, %mul3A_35 : i32
    "tpu.region"() ({
      %run_scoped3A_37 = tpu.sem_alloc : memref<!tpu.dma_semaphore, #tpu.memory_space<semaphore_mem>>
      %dma_start3A = arith.constant 0 : i32
      %dma_start3A_38 = tpu.memref_slice %arg3[%arg0, %mul3A_36, %dma_start3A] : memref<2x10240x16xf32, #tpu.memory_space<hbm>> -> memref<1x640x16xf32, #tpu.memory_space<hbm>>
      %dma_start3A_39 = tpu.memref_squeeze %dma_start3A_38 : memref<1x640x16xf32, #tpu.memory_space<hbm>> -> memref<640x16xf32, #tpu.memory_space<hbm>>
      %dma_start3A_40 = arith.constant 0 : i32
      %dma_start3A_41 = tpu.memref_slice %arg3[%arg0, %mul3A_36, %dma_start3A_40] : memref<2x10240x16xf32, #tpu.memory_space<hbm>> -> memref<1x640x16xf32, #tpu.memory_space<hbm>>
      %dma_start3A_42 = tpu.memref_squeeze %dma_start3A_41 : memref<1x640x16xf32, #tpu.memory_space<hbm>> -> memref<640x16xf32, #tpu.memory_space<hbm>>
      tpu.enqueue_dma source(%arg6 : memref<640x16xf32, #tpu.memory_space<vmem>>) target(%dma_start3A_42 : memref<640x16xf32, #tpu.memory_space<hbm>>) target_semaphore(%run_scoped3A_37 : memref<!tpu.dma_semaphore, #tpu.memory_space<semaphore_mem>>)
      %dma_wait3A = arith.constant 0 : i32
      %dma_wait3A_43 = tpu.memref_slice %arg3[%arg0, %mul3A_36, %dma_wait3A] : memref<2x10240x16xf32, #tpu.memory_space<hbm>> -> memref<1x640x16xf32, #tpu.memory_space<hbm>>
      %dma_wait3A_44 = tpu.memref_squeeze %dma_wait3A_43 : memref<1x640x16xf32, #tpu.memory_space<hbm>> -> memref<640x16xf32, #tpu.memory_space<hbm>>
      %dma_wait3A_45 = arith.constant 0 : i32
      %dma_wait3A_46 = tpu.memref_slice %arg3[%arg0, %mul3A_36, %dma_wait3A_45] : memref<2x10240x16xf32, #tpu.memory_space<hbm>> -> memref<1x640x16xf32, #tpu.memory_space<hbm>>
      %dma_wait3A_47 = tpu.memref_squeeze %dma_wait3A_46 : memref<1x640x16xf32, #tpu.memory_space<hbm>> -> memref<640x16xf32, #tpu.memory_space<hbm>>
      tpu.wait_dma2 semaphore(%run_scoped3A_37 : memref<!tpu.dma_semaphore, #tpu.memory_space<semaphore_mem>>) src(%arg6 : memref<640x16xf32, #tpu.memory_space<vmem>>) dst(%dma_wait3A_47 : memref<640x16xf32, #tpu.memory_space<hbm>>)
      tpu.yield
    }) : () -> ()
    return
  }
}

module attributes {stable_mosaic.version = 14 : i64} {
  func.func @_prescale_body(%arg0: i32, %arg1: memref<2x10240x16xf32, #tpu.memory_space<vmem>>, %arg2: memref<1000x128xf32, #tpu.memory_space<vmem>>, %arg3: memref<1000x64xf32, #tpu.memory_space<vmem>>, %arg4: memref<1000x64xf32, #tpu.memory_space<vmem>>) attributes {dimension_semantics = [#tpu.dimension_semantics<arbitrary>], iteration_bounds = array<i64: 10>, scalar_prefetch = 0 : i64, scratch_operands = 0 : i64, tpu.core_type = #tpu.core_type<tc>, window_params = [{pipeline_mode = #tpu.pipeline_mode<synchronous>, transform_indices = @transform_0, window_bounds = array<i64: 2, 10240, 16>}, {transform_indices = @transform_1, window_bounds = array<i64: 1000, 128>}, {transform_indices = @transform_2, window_bounds = array<i64: 1000, 64>}, {transform_indices = @transform_3, window_bounds = array<i64: 1000, 64>}]} {
    %mul3A = arith.constant 1000 : i32
    %mul3A_0 = arith.muli %arg0, %mul3A : i32
    %get3A = arith.constant 0 : index
    %get3A_1 = arith.index_cast %mul3A_0 : i32 to index
    %get3A_2 = arith.constant 0 : index
    %get3A_3 = vector.load %arg1[%get3A, %get3A_1, %get3A_2] : memref<2x10240x16xf32, #tpu.memory_space<vmem>>, vector<1x1000x1xf32>
    %get3A_4 = vector.shape_cast %get3A_3 : vector<1x1000x1xf32> to vector<1000x1xf32>
    %mul3A_5 = arith.constant 1000 : i32
    %mul3A_6 = arith.muli %arg0, %mul3A_5 : i32
    %get3A_7 = arith.constant 1 : index
    %get3A_8 = arith.index_cast %mul3A_6 : i32 to index
    %get3A_9 = arith.constant 0 : index
    %get3A_10 = vector.load %arg1[%get3A_7, %get3A_8, %get3A_9] : memref<2x10240x16xf32, #tpu.memory_space<vmem>>, vector<1x1000x1xf32>
    %get3A_11 = vector.shape_cast %get3A_10 : vector<1x1000x1xf32> to vector<1000x1xf32>
    %add3A = arith.addf %get3A_4, %get3A_11 : vector<1000x1xf32>
    %add3A_12 = arith.constant 1.000000e+00 : f32
    %add3A_13 = vector.broadcast %add3A_12 : f32 to vector<1000x1xf32>
    %add3A_14 = arith.addf %add3A, %add3A_13 : vector<1000x1xf32>
    %rsqrt3A = math.rsqrt %add3A_14 : vector<1000x1xf32>
    %get3A_15 = arith.constant 0 : index
    %get3A_16 = arith.constant 0 : index
    %get3A_17 = vector.load %arg2[%get3A_15, %get3A_16] : memref<1000x128xf32, #tpu.memory_space<vmem>>, vector<1000x64xf32>
    %mul3A_18 = vector.broadcast %rsqrt3A : vector<1000x1xf32> to vector<1000x64xf32>
    %mul3A_19 = arith.mulf %get3A_17, %mul3A_18 : vector<1000x64xf32>
    %swap3A = arith.constant 0 : index
    %swap3A_20 = arith.constant 0 : index
    %swap3A_21 = vector.load %arg3[%swap3A, %swap3A_20] : memref<1000x64xf32, #tpu.memory_space<vmem>>, vector<1000x64xf32>
    tpu.vector_store %arg3[%swap3A, %swap3A_20], %mul3A_19 {strides = array<i32>} : memref<1000x64xf32, #tpu.memory_space<vmem>>, vector<1000x64xf32>,
    %get3A_22 = arith.constant 0 : index
    %get3A_23 = arith.constant 64 : index
    %get3A_24 = vector.load %arg2[%get3A_22, %get3A_23] : memref<1000x128xf32, #tpu.memory_space<vmem>>, vector<1000x64xf32>
    %mul3A_25 = vector.broadcast %rsqrt3A : vector<1000x1xf32> to vector<1000x64xf32>
    %mul3A_26 = arith.mulf %get3A_24, %mul3A_25 : vector<1000x64xf32>
    %swap3A_27 = arith.constant 0 : index
    %swap3A_28 = arith.constant 0 : index
    %swap3A_29 = vector.load %arg4[%swap3A_27, %swap3A_28] : memref<1000x64xf32, #tpu.memory_space<vmem>>, vector<1000x64xf32>
    tpu.vector_store %arg4[%swap3A_27, %swap3A_28], %mul3A_26 {strides = array<i32>} : memref<1000x64xf32, #tpu.memory_space<vmem>>, vector<1000x64xf32>,
    return
  }
  func.func @transform_0(%arg0: i32) -> (i32, i32, i32) {
    %c0_i32 = arith.constant 0 : i32
    %c0_i32_0 = arith.constant 0 : i32
    %c0_i32_1 = arith.constant 0 : i32
    %c0_i32_2 = arith.constant 0 : i32
    return %c0_i32, %c0_i32_0, %c0_i32_1 : i32, i32, i32
  }
  func.func @transform_1(%arg0: i32) -> (i32, i32) {
    %c0_i32 = arith.constant 0 : i32
    %c0_i32_0 = arith.constant 0 : i32
    return %arg0, %c0_i32 : i32, i32
  }
  func.func @transform_2(%arg0: i32) -> (i32, i32) {
    %c0_i32 = arith.constant 0 : i32
    %c0_i32_0 = arith.constant 0 : i32
    return %arg0, %c0_i32 : i32, i32
  }
  func.func @transform_3(%arg0: i32) -> (i32, i32) {
    %c0_i32 = arith.constant 0 : i32
    %c0_i32_0 = arith.constant 0 : i32
    return %arg0, %c0_i32 : i32, i32
  }
}

module attributes {stable_mosaic.version = 14 : i64} {
  func.func @_final_body(%arg0: i32, %arg1: memref<1x1000x64xf32, #tpu.memory_space<vmem>>, %arg2: memref<1x1000x64xf32, #tpu.memory_space<vmem>>, %arg3: memref<1x1000x64xf32, #tpu.memory_space<vmem>>, %arg4: memref<1x1000x64xf32, #tpu.memory_space<vmem>>, %arg5: memref<1000x64xf32, #tpu.memory_space<vmem>>, %arg6: memref<1000x64xf32, #tpu.memory_space<vmem>>, %arg7: memref<2x10240x16xf32, #tpu.memory_space<vmem>>, %arg8: memref<128x128xf32, #tpu.memory_space<vmem>>, %arg9: memref<1x128xf32, #tpu.memory_space<vmem>>, %arg10: memref<1x128xf32, #tpu.memory_space<vmem>>, %arg11: memref<1x128xf32, #tpu.memory_space<vmem>>, %arg12: memref<1000x128xf32, #tpu.memory_space<vmem>>) attributes {dimension_semantics = [#tpu.dimension_semantics<arbitrary>], iteration_bounds = array<i64: 10>, scalar_prefetch = 0 : i64, scratch_operands = 0 : i64, tpu.core_type = #tpu.core_type<tc>, window_params = [{transform_indices = @transform_0, window_bounds = array<i64: 1, 1000, 64>}, {transform_indices = @transform_1, window_bounds = array<i64: 1, 1000, 64>}, {transform_indices = @transform_2, window_bounds = array<i64: 1, 1000, 64>}, {transform_indices = @transform_3, window_bounds = array<i64: 1, 1000, 64>}, {transform_indices = @transform_4, window_bounds = array<i64: 1000, 64>}, {transform_indices = @transform_5, window_bounds = array<i64: 1000, 64>}, {pipeline_mode = #tpu.pipeline_mode<synchronous>, transform_indices = @transform_6, window_bounds = array<i64: 2, 10240, 16>}, {pipeline_mode = #tpu.pipeline_mode<synchronous>, transform_indices = @transform_7, window_bounds = array<i64: 128, 128>}, {pipeline_mode = #tpu.pipeline_mode<synchronous>, transform_indices = @transform_8, window_bounds = array<i64: 1, 128>}, {pipeline_mode = #tpu.pipeline_mode<synchronous>, transform_indices = @transform_9, window_bounds = array<i64: 1, 128>}, {pipeline_mode = #tpu.pipeline_mode<synchronous>, transform_indices = @transform_10, window_bounds = array<i64: 1, 128>}, {transform_indices = @transform_11, window_bounds = array<i64: 1000, 128>}]} {
    %mul3A = arith.constant 1000 : i32
    %mul3A_0 = arith.muli %arg0, %mul3A : i32
    %get3A = arith.constant 0 : index
    %get3A_1 = arith.index_cast %mul3A_0 : i32 to index
    %get3A_2 = arith.constant 0 : index
    %get3A_3 = vector.load %arg7[%get3A, %get3A_1, %get3A_2] : memref<2x10240x16xf32, #tpu.memory_space<vmem>>, vector<1x1000x1xf32>
    %get3A_4 = vector.shape_cast %get3A_3 : vector<1x1000x1xf32> to vector<1000x1xf32>
    %mul3A_5 = arith.constant 1000 : i32
    %mul3A_6 = arith.muli %arg0, %mul3A_5 : i32
    %get3A_7 = arith.constant 1 : index
    %get3A_8 = arith.index_cast %mul3A_6 : i32 to index
    %get3A_9 = arith.constant 0 : index
    %get3A_10 = vector.load %arg7[%get3A_7, %get3A_8, %get3A_9] : memref<2x10240x16xf32, #tpu.memory_space<vmem>>, vector<1x1000x1xf32>
    %get3A_11 = vector.shape_cast %get3A_10 : vector<1x1000x1xf32> to vector<1000x1xf32>
    %add3A = arith.addf %get3A_4, %get3A_11 : vector<1000x1xf32>
    %add3A_12 = arith.constant 1.000000e+00 : f32
    %add3A_13 = vector.broadcast %add3A_12 : f32 to vector<1000x1xf32>
    %add3A_14 = arith.addf %add3A, %add3A_13 : vector<1000x1xf32>
    %rsqrt3A = math.rsqrt %add3A_14 : vector<1000x1xf32>
    %get3A_15 = arith.constant 0 : index
    %get3A_16 = arith.constant 0 : index
    %get3A_17 = arith.constant 0 : index
    %get3A_18 = vector.load %arg1[%get3A_15, %get3A_16, %get3A_17] : memref<1x1000x64xf32, #tpu.memory_space<vmem>>, vector<1x1000x64xf32>
    %get3A_19 = vector.shape_cast %get3A_18 : vector<1x1000x64xf32> to vector<1000x64xf32>
    %get3A_20 = arith.constant 0 : index
    %get3A_21 = arith.constant 0 : index
    %get3A_22 = arith.constant 0 : index
    %get3A_23 = vector.load %arg3[%get3A_20, %get3A_21, %get3A_22] : memref<1x1000x64xf32, #tpu.memory_space<vmem>>, vector<1x1000x64xf32>
    %get3A_24 = vector.shape_cast %get3A_23 : vector<1x1000x64xf32> to vector<1000x64xf32>
    %add3A_25 = arith.addf %get3A_19, %get3A_24 : vector<1000x64xf32>
    %get3A_26 = arith.constant 0 : index
    %get3A_27 = arith.constant 0 : index
    %get3A_28 = vector.load %arg5[%get3A_26, %get3A_27] : memref<1000x64xf32, #tpu.memory_space<vmem>>, vector<1000x64xf32>
    %add3A_29 = arith.addf %add3A_25, %get3A_28 : vector<1000x64xf32>
    %mul3A_30 = vector.broadcast %rsqrt3A : vector<1000x1xf32> to vector<1000x64xf32>
    %mul3A_31 = arith.mulf %add3A_29, %mul3A_30 : vector<1000x64xf32>
    %get3A_32 = arith.constant 0 : index
    %get3A_33 = arith.constant 0 : index
    %get3A_34 = arith.constant 0 : index
    %get3A_35 = vector.load %arg2[%get3A_32, %get3A_33, %get3A_34] : memref<1x1000x64xf32, #tpu.memory_space<vmem>>, vector<1x1000x64xf32>
    %get3A_36 = vector.shape_cast %get3A_35 : vector<1x1000x64xf32> to vector<1000x64xf32>
    %get3A_37 = arith.constant 0 : index
    %get3A_38 = arith.constant 0 : index
    %get3A_39 = arith.constant 0 : index
    %get3A_40 = vector.load %arg4[%get3A_37, %get3A_38, %get3A_39] : memref<1x1000x64xf32, #tpu.memory_space<vmem>>, vector<1x1000x64xf32>
    %get3A_41 = vector.shape_cast %get3A_40 : vector<1x1000x64xf32> to vector<1000x64xf32>
    %add3A_42 = arith.addf %get3A_36, %get3A_41 : vector<1000x64xf32>
    %get3A_43 = arith.constant 0 : index
    %get3A_44 = arith.constant 0 : index
    %get3A_45 = vector.load %arg6[%get3A_43, %get3A_44] : memref<1000x64xf32, #tpu.memory_space<vmem>>, vector<1000x64xf32>
    %add3A_46 = arith.addf %add3A_42, %get3A_45 : vector<1000x64xf32>
    %mul3A_47 = vector.broadcast %rsqrt3A : vector<1000x1xf32> to vector<1000x64xf32>
    %mul3A_48 = arith.mulf %add3A_46, %mul3A_47 : vector<1000x64xf32>
    %get3A_49 = arith.constant 0 : index
    %get3A_50 = arith.constant 0 : index
    %get3A_51 = vector.load %arg8[%get3A_49, %get3A_50] : memref<128x128xf32, #tpu.memory_space<vmem>>, vector<64x128xf32>
    %dot_general3A = arith.constant dense<0.000000e+00> : vector<1000x128xf32>
    %dot_general3A_52 = tpu.matmul %mul3A_31, %get3A_51, %dot_general3A {dimension_numbers = #tpu.dot_dimension_numbers<[1], [0], [0], [1], [0, 0, 1, 1], [], []>, transpose_lhs_hint = false} : vector<1000x64xf32>, vector<64x128xf32>, vector<1000x128xf32> -> vector<1000x128xf32>
    %get3A_53 = arith.constant 64 : index
    %get3A_54 = arith.constant 0 : index
    %get3A_55 = vector.load %arg8[%get3A_53, %get3A_54] : memref<128x128xf32, #tpu.memory_space<vmem>>, vector<64x128xf32>
    %dot_general3A_56 = arith.constant dense<0.000000e+00> : vector<1000x128xf32>
    %dot_general3A_57 = tpu.matmul %mul3A_48, %get3A_55, %dot_general3A_56 {dimension_numbers = #tpu.dot_dimension_numbers<[1], [0], [0], [1], [0, 0, 1, 1], [], []>, transpose_lhs_hint = false} : vector<1000x64xf32>, vector<64x128xf32>, vector<1000x128xf32> -> vector<1000x128xf32>
    %add3A_58 = arith.addf %dot_general3A_52, %dot_general3A_57 : vector<1000x128xf32>
    %get3A_59 = arith.constant 0 : index
    %get3A_60 = arith.constant 0 : index
    %get3A_61 = vector.load %arg9[%get3A_59, %get3A_60] : memref<1x128xf32, #tpu.memory_space<vmem>>, vector<1x128xf32>
    %add3A_62 = vector.broadcast %get3A_61 : vector<1x128xf32> to vector<1000x128xf32>
    %add3A_63 = arith.addf %add3A_58, %add3A_62 : vector<1000x128xf32>
    %reduce_sum3A = arith.constant dense<0.000000e+00> : vector<1000xf32>
    %reduce_sum3A_64 = vector.multi_reduction <add>, %add3A_63, %reduce_sum3A [1] : vector<1000x128xf32> to vector<1000xf32>
    %broadcast_in_dim3A = vector.shape_cast %reduce_sum3A_64 : vector<1000xf32> to vector<1000x1xf32>
    %div3A = arith.constant 1.280000e+02 : f32
    %div3A_65 = vector.broadcast %div3A : f32 to vector<1000x1xf32>
    %div3A_66 = arith.divf %broadcast_in_dim3A, %div3A_65 : vector<1000x1xf32>
    %sub3A = vector.broadcast %div3A_66 : vector<1000x1xf32> to vector<1000x128xf32>
    %sub3A_67 = arith.subf %add3A_63, %sub3A : vector<1000x128xf32>
    %mul3A_68 = arith.mulf %sub3A_67, %sub3A_67 : vector<1000x128xf32>
    %reduce_sum3A_69 = arith.constant dense<0.000000e+00> : vector<1000xf32>
    %reduce_sum3A_70 = vector.multi_reduction <add>, %mul3A_68, %reduce_sum3A_69 [1] : vector<1000x128xf32> to vector<1000xf32>
    %broadcast_in_dim3A_71 = vector.shape_cast %reduce_sum3A_70 : vector<1000xf32> to vector<1000x1xf32>
    %div3A_72 = arith.constant 1.280000e+02 : f32
    %div3A_73 = vector.broadcast %div3A_72 : f32 to vector<1000x1xf32>
    %div3A_74 = arith.divf %broadcast_in_dim3A_71, %div3A_73 : vector<1000x1xf32>
    %add3A_75 = arith.constant 9.99999974E-6 : f32
    %add3A_76 = vector.broadcast %add3A_75 : f32 to vector<1000x1xf32>
    %add3A_77 = arith.addf %div3A_74, %add3A_76 : vector<1000x1xf32>
    %rsqrt3A_78 = math.rsqrt %add3A_77 : vector<1000x1xf32>
    %mul3A_79 = vector.broadcast %rsqrt3A_78 : vector<1000x1xf32> to vector<1000x128xf32>
    %mul3A_80 = arith.mulf %sub3A_67, %mul3A_79 : vector<1000x128xf32>
    %get3A_81 = arith.constant 0 : index
    %get3A_82 = arith.constant 0 : index
    %get3A_83 = vector.load %arg10[%get3A_81, %get3A_82] : memref<1x128xf32, #tpu.memory_space<vmem>>, vector<1x128xf32>
    %mul3A_84 = vector.broadcast %get3A_83 : vector<1x128xf32> to vector<1000x128xf32>
    %mul3A_85 = arith.mulf %mul3A_80, %mul3A_84 : vector<1000x128xf32>
    %get3A_86 = arith.constant 0 : index
    %get3A_87 = arith.constant 0 : index
    %get3A_88 = vector.load %arg11[%get3A_86, %get3A_87] : memref<1x128xf32, #tpu.memory_space<vmem>>, vector<1x128xf32>
    %add3A_89 = vector.broadcast %get3A_88 : vector<1x128xf32> to vector<1000x128xf32>
    %add3A_90 = arith.addf %mul3A_85, %add3A_89 : vector<1000x128xf32>
    %swap3A = arith.constant 0 : index
    %swap3A_91 = arith.constant 0 : index
    %swap3A_92 = vector.load %arg12[%swap3A, %swap3A_91] : memref<1000x128xf32, #tpu.memory_space<vmem>>, vector<1000x128xf32>
    tpu.vector_store %arg12[%swap3A, %swap3A_91], %add3A_90 {strides = array<i32>} : memref<1000x128xf32, #tpu.memory_space<vmem>>, vector<1000x128xf32>,
    return
  }
  func.func @transform_0(%arg0: i32) -> (i32, i32, i32) {
    %c0_i32 = arith.constant 0 : i32
    %c0_i32_0 = arith.constant 0 : i32
    %c0_i32_1 = arith.constant 0 : i32
    return %c0_i32, %arg0, %c0_i32_0 : i32, i32, i32
  }
  func.func @transform_1(%arg0: i32) -> (i32, i32, i32) {
    %c0_i32 = arith.constant 0 : i32
    %c0_i32_0 = arith.constant 0 : i32
    %c0_i32_1 = arith.constant 0 : i32
    return %c0_i32, %arg0, %c0_i32_0 : i32, i32, i32
  }
  func.func @transform_2(%arg0: i32) -> (i32, i32, i32) {
    %c1_i32 = arith.constant 1 : i32
    %c0_i32 = arith.constant 0 : i32
    %c0_i32_0 = arith.constant 0 : i32
    return %c1_i32, %arg0, %c0_i32 : i32, i32, i32
  }
  func.func @transform_3(%arg0: i32) -> (i32, i32, i32) {
    %c1_i32 = arith.constant 1 : i32
    %c0_i32 = arith.constant 0 : i32
    %c0_i32_0 = arith.constant 0 : i32
    return %c1_i32, %arg0, %c0_i32 : i32, i32, i32
  }
  func.func @transform_4(%arg0: i32) -> (i32, i32) {
    %c0_i32 = arith.constant 0 : i32
    %c0_i32_0 = arith.constant 0 : i32
    return %arg0, %c0_i32 : i32, i32
  }
  func.func @transform_5(%arg0: i32) -> (i32, i32) {
    %c0_i32 = arith.constant 0 : i32
    %c0_i32_0 = arith.constant 0 : i32
    return %arg0, %c0_i32 : i32, i32
  }
  func.func @transform_6(%arg0: i32) -> (i32, i32, i32) {
    %c0_i32 = arith.constant 0 : i32
    %c0_i32_0 = arith.constant 0 : i32
    %c0_i32_1 = arith.constant 0 : i32
    %c0_i32_2 = arith.constant 0 : i32
    return %c0_i32, %c0_i32_0, %c0_i32_1 : i32, i32, i32
  }
  func.func @transform_7(%arg0: i32) -> (i32, i32) {
    %c0_i32 = arith.constant 0 : i32
    %c0_i32_0 = arith.constant 0 : i32
    %c0_i32_1 = arith.constant 0 : i32
    return %c0_i32, %c0_i32_0 : i32, i32
  }
  func.func @transform_8(%arg0: i32) -> (i32, i32) {
    %c0_i32 = arith.constant 0 : i32
    %c0_i32_0 = arith.constant 0 : i32
    %c0_i32_1 = arith.constant 0 : i32
    return %c0_i32, %c0_i32_0 : i32, i32
  }
  func.func @transform_9(%arg0: i32) -> (i32, i32) {
    %c0_i32 = arith.constant 0 : i32
    %c0_i32_0 = arith.constant 0 : i32
    %c0_i32_1 = arith.constant 0 : i32
    return %c0_i32, %c0_i32_0 : i32, i32
  }
  func.func @transform_10(%arg0: i32) -> (i32, i32) {
    %c0_i32 = arith.constant 0 : i32
    %c0_i32_0 = arith.constant 0 : i32
    %c0_i32_1 = arith.constant 0 : i32
    return %c0_i32, %c0_i32_0 : i32, i32
  }
  func.func @transform_11(%arg0: i32) -> (i32, i32) {
    %c0_i32 = arith.constant 0 : i32
    %c0_i32_0 = arith.constant 0 : i32
    return %arg0, %c0_i32 : i32, i32
  }
}

</mosaic_0001>

<sc_bundles>
// kernel: kernel.6.cloned.1.call-start
scs
__scs_entry_jumppad:
0x0: {  	(pc) =	sbr.rel $0x88, $3  }
0x1: {  	(tag) =	ssettag $0x0;
	lr =	simm.s32 $0x1  }
0x2: {  	[smem:$0x3F9B] =	sst lr;
	_ =	strace $0xD0000000  }
0x3: {  	_ = 	snop  }
0x4: {  	_ = 	snop  }
0x5: {  	_ = 	snop  }
0x6: {  	_ = 	snop  }
0x7: {  	_ = 	snop  }
__scs_overlays_trampoline_lowered:
0x8: {  	[smem:$0x3FAA] =	sst s0  }
0x9: {  	[smem:$0x3FAB] =	sst s1  }
0xa: {  	[smem:$0x3FAC] =	sst s2  }
0xb: {  	[smem:$0x3FAD] =	sst s3  }
0xc: {  	[smem:$0x3FAE] =	sst s4  }
0xd: {  	[smem:$0x3FAF] =	sst s5  }
0xe: {  	[smem:$0x3FB0] =	sst s6  }
0xf: {  	[smem:$0x3FB1] =	sst s7  }
0x10: {  	[smem:$0x3FB2] =	sst s8  }
0x11: {  	[smem:$0x3FB3] =	sst s9;
	s0 =	simm.s32 @!p0 $0x0  }
0x12: {  	s1 =	sld [smem:$0x3F99];
	s0 =	simm.s32 @p0 $0x1  }
0x13: {  	[smem:$0x3FB4] =	sst s0;
	s0 =	simm.s32 @!p1 $0x0  }
0x14: {  	s2 =	sld [smem:$0x3F98];
	s0 =	simm.s32 @p1 $0x1  }
0x15: {  	[smem:$0x3FB5] =	sst s0;
	s0 =	simm.s32 @!p2 $0x0  }
0x16: {  	s3 =	sld [smem:$0x3FDB];
	s0 =	simm.s32 @p2 $0x1  }
0x17: {  	s4 =	simm.s32 $0x1BF5;
	[smem:$0x3FB7] =	sst s0  }
0x18: {  	s0 =	sld [smem:$0x3F9A];
	_ =	swait.ge [sflag:s4], $0x0  }
0x19: {  	s7 =	sld [smem:$0x3F9B]  }
0x1a: {  	s8 =	sadd.s32 $0xFFFFE003, lr  }
0x1b: {  	s9 =	sadd.s32 $0xFFFFFEF7, lr;
	s5 =	simm.s32 $0xFFFFFFFF;
	p2 =	slt.u32 s8, $0xFFFFF086  }
0x1c: {  	p1 =	slt.u32 s9, $0xF7A;
	s5 =	simm.s32 @!p2 $0x0  }
0x1d: {  	s5 =	simm.s32 @p1 $0x1;
	p0 =	seq.s32 s7, s2  }
0x1e: {  	s7 =	smul.u32 @!p0 $0xF7A, s2;
	p2 =	seq.s32 @!p0 s5, $0x0  }
0x1f: {  	s9 =	smul.u32 $0xF7A, s1;
	s8 =	simm.s32 @!p0 $0x1BF5;
	p2 =	por !p2, p0  }
0x20: {  	[sflag:s8] =	ssyncset.s32 @!p0 $0xFFFFF086;
	s6 =	sadd.s32 @!p0 s3, s7;
	s7 =	simm.s32 @!p0 $0x108  }
0x21: {  	s3 =	sadd.s32 s3, s9;
	s6 =	sadd.s32 @!p0 $0x88, s6;
	s7 =	simm.s32 @p2 $0x1082  }
0x22: {  	[simem:s7], [sflag:s8] =	dma.local @!p0 [hbm:s6], $0xF7A  }
0x23: {  	s9 =	sor.u32 $0xD0000000, s2;
	s6 =	simm.s32 $0x108;
	_ =	swait.ge @!p0 [sflag:s8], $0x0  }
0x24: {  	s3 =	sadd.s32 $0x88, s3;
	s6 =	simm.s32 @!p1 $0x1082;
	[sflag:s4] =	ssyncset.s32 $0xFFFFF086  }
0x25: {  	[simem:s6], [sflag:s4] =	dma.local [hbm:s3], $0xF7A  }
0x26: {  	[smem:$0x3F9B] =	sst s1;
	(tag) =	ssettag s2;
	_ =	strace s9  }
0x27: {  	s1 =	sld [smem:$0x3FAB]  }
0x28: {  	s2 =	sld [smem:$0x3FAC]  }
0x29: {  	s4 =	sld [smem:$0x3FAE]  }
0x2a: {  	p0 =	seq.s32 s5, $0x0;
	s5 =	sld [smem:$0x3FAF]  }
0x2b: {  	s6 =	sld [smem:$0x3FB0]  }
0x2c: {  	s7 =	sld [smem:$0x3FB1]  }
0x2d: {  	s3 =	simm.s32 $0x108;
	s8 =	sld [smem:$0x3FB2]  }
0x2e: {  	s3 =	simm.s32 @!p0 $0x1082;
	s9 =	sld [smem:$0x3FB3]  }
0x2f: {  	lr =	sadd.s32 s0, s3;
	s0 =	sld [smem:$0x3FAA]  }
0x30: {  	s3 =	sld [smem:$0x3FAD]  }
0x31: {  	[smem:$0x3FB6] =	sst s10  }
0x32: {  	s10 =	sld [smem:$0x3FB4];
	_ =	sdelay $0x3  }
0x33: {  	p0 =	seq.s32 s10, $0x1;
	s10 =	sld [smem:$0x3FB6];
	_ =	sdelay $0x3  }
0x34: {  	[smem:$0x3FB6] =	sst s10  }
0x35: {  	s10 =	sld [smem:$0x3FB5];
	_ =	sdelay $0x3  }
0x36: {  	p1 =	seq.s32 s10, $0x1;
	s10 =	sld [smem:$0x3FB6];
	_ =	sdelay $0x3  }
0x37: {  	[smem:$0x3FB6] =	sst s10  }
0x38: {  	s10 =	sld [smem:$0x3FB7]  }
0x39: {  	_ = 	snop;
	(pc) =	sbr.ind lr, $3  }
0x3a: {  	_ = 	snop  }
0x3b: {  	_ = 	snop  }
0x3c: {  	p2 =	seq.s32 s10, $0x1;
	s10 =	sld [smem:$0x3FB6]  }
0x3d: {  	_ =	shalt  }
0x3e: {  	_ =	shalt  }
0x3f: {  	_ =	shalt  }
0x40: {  	_ =	shalt  }
0x41: {  	_ =	shalt  }
0x42: {  	_ =	shalt  }
0x43: {  	_ =	shalt  }
0x44: {  	_ =	shalt  }
0x45: {  	_ =	shalt  }
0x46: {  	_ =	shalt  }
0x47: {  	_ =	shalt  }
0x48: {  	_ =	shalt  }
0x49: {  	_ =	shalt  }
0x4a: {  	_ =	shalt  }
0x4b: {  	_ =	shalt  }
0x4c: {  	_ =	shalt  }
0x4d: {  	_ =	shalt  }
0x4e: {  	_ =	shalt  }
0x4f: {  	_ =	shalt  }
0x50: {  	_ =	shalt  }
0x51: {  	_ =	shalt  }
0x52: {  	_ =	shalt  }
0x53: {  	_ =	shalt  }
0x54: {  	_ =	shalt  }
0x55: {  	_ =	shalt  }
0x56: {  	_ =	shalt  }
0x57: {  	_ =	shalt  }
0x58: {  	_ =	shalt  }
0x59: {  	_ =	shalt  }
0x5a: {  	_ =	shalt  }
0x5b: {  	_ =	shalt  }
0x5c: {  	_ =	shalt  }
0x5d: {  	_ =	shalt  }
0x5e: {  	_ =	shalt  }
0x5f: {  	_ =	shalt  }
0x60: {  	_ =	shalt  }
0x61: {  	_ =	shalt  }
0x62: {  	_ =	shalt  }
0x63: {  	_ =	shalt  }
0x64: {  	_ =	shalt  }
0x65: {  	_ =	shalt  }
0x66: {  	_ =	shalt  }
0x67: {  	_ =	shalt  }
0x68: {  	_ =	shalt  }
0x69: {  	_ =	shalt  }
0x6a: {  	_ =	shalt  }
0x6b: {  	_ =	shalt  }
0x6c: {  	_ =	shalt  }
0x6d: {  	_ =	shalt  }
0x6e: {  	_ =	shalt  }
0x6f: {  	_ =	shalt  }
0x70: {  	_ =	shalt  }
0x71: {  	_ =	shalt  }
0x72: {  	_ =	shalt  }
0x73: {  	_ =	shalt  }
0x74: {  	_ =	shalt  }
0x75: {  	_ =	shalt  }
0x76: {  	_ =	shalt  }
0x77: {  	_ =	shalt  }
0x78: {  	_ =	shalt  }
0x79: {  	_ =	shalt  }
0x7a: {  	_ =	shalt  }
0x7b: {  	_ =	shalt  }
0x7c: {  	_ =	shalt  }
0x7d: {  	_ =	shalt  }
0x7e: {  	_ =	shalt  }
0x7f: {  	_ =	shalt  }
0x80: {  	_ =	shalt  }
0x81: {  	_ =	shalt  }
0x82: {  	_ =	shalt  }
0x83: {  	_ =	shalt  }
0x84: {  	_ =	shalt  }
0x85: {  	_ =	shalt  }
0x86: {  	_ =	shalt  }
0x87: {  	_ =	shalt  }
.Lfunc_end0:
.L_simem_size_0:
called_computation_lowered:
.L_overlay_start_0:
0x88: {  	s2 =	sld [smem:$0x3FD9]  }
0x89: {  	s3 =	sld [smem:$0x3FFE];
	_ =	sdelay $0x1  }
0x8a: {  	s1 =	srdreg.scid  }
0x8b: {  	s0 =	sand.u32 $0x1, s1  }
0x8c: {  	s17 =	sshll.u32 s0, $0xA;
	s2 =	sadd.s32 s3, s2  }
0x8d: {  	s2 =	sadd.s32 s2, s17  }
0x8e: {  	[smem:$0x3FC2] =	sst s2  }
0x8f: {  	_ = 	snop  }
0x90: {  	s2 =	sld [smem:$0x3FD0];
	(tm) =	ssettm $0x1  }
0x91: {  	s18 =	sld [smem:$0x3FFB];
	_ =	sdelay $0x3  }
0x92: {  	_ =	strace s18  }
0x93: {  	s3 =	sld [smem:$0x3FFC];
	_ =	sdelay $0x3  }
0x94: {  	_ =	strace s3  }
0x95: {  	s3 =	sld [smem:$0x3FFD];
	_ =	sdelay $0x3  }
0x96: {  	_ =	strace s3  }
0x97: {  	_ =	strace $0x8FFFFFFF  }
0x98: {  	s19 =	sld [smem:$0x3FDB];
	_ =	sdelay $0x1  }
0x99: {  	s4 =	simm.s32 $_scs_section_size  }
0x9a: {  	s5 =	simm.s32 $_size__tile_overlayer_lowered;
	s6 =	simm.s32 $_tile_overlayer_lowered  }
0x9b: {  	s22 =	simm.s32 $0x1BFF;
	s21 =	sshll.u32 s6, $0x1;
	s3 =	sadd.s32 s4, s19  }
0x9c: {  	s7 =	simm.s32 $0x0;
	s20 =	sshll.u32 s5, $0x1;
	s5 =	sadd.s32 s21, s3  }
0x9d: {  	[timem:s7], [sflag:s22] =	dma.local [hbm:s5], s20  }
0x9e: {  	_ =	swait.ge [sflag:s22], s20  }
0x9f: {  	s4 =	ssub.s32 $0x0, s20;
	[sflag:s22] =	ssyncset.done $0x0  }
0xa0: {  	[sflag:s22] =	ssyncadd.s32 s4;
	_ =	sdelay $0x1  }
0xa1: {  	s23 =	simm.s32 $0x1B8B  }
0xa2: {  	_ =	swait.ge [sflag:s23], $0x1  }
0xa3: {  	[sflag:s23] =	ssyncset.done $0x0  }
0xa4: {  	s25 =	simm.s32 $0x1B8E;
	s24 =	sld [smem:$0x3FFE];
	[sflag:s23] =	ssyncadd.s32 $0xFFFFFFFF  }
0xa5: {  	s26 =	simm.s32 $execute0_lowered;
	[smem:$0x3FD2] =	sst s25  }
0xa6: {  	s5 =	sshll.u32 s26, $0x1;
	_ =	strace $0x80000046;
	[dreg:$0x1] =	wrdreg $0xFFFFFFFF  }
0xa7: {  	s28 =	simm.s32 $_size_execute0_lowered;
	s3 =	sadd.s32 s3, s5;
	[dreg:$0x0] =	wrdreg $0x0  }
0xa8: {  	s5 =	sshll.u32 s28, $0x1;
	[dreg:$0x2] =	wrdreg s3  }
0xa9: {  	[dreg:$0x3] =	wrdreg s5  }
0xaa: {  	[dreg:$0x4] =	wrdreg $0xC0  }
0xab: {  	_ =	task [dreg:s7], $0x5FFFF  }
0xac: {  	[dreg:$0x1] =	wrdreg $0xFFFFFFFF  }
0xad: {  	[dreg:$0x0] =	wrdreg $0x60  }
0xae: {  	[dreg:$0x2] =	wrdreg s2  }
0xaf: {  	[dreg:$0x3] =	wrdreg s24  }
0xb0: {  	[dreg:$0x4] =	wrdreg $0x54100  }
0xb1: {  	[dreg:$0x5] =	wrdreg $0x9  }
0xb2: {  	_ =	task.clear_ibuf [dreg:s7], $0x6FFFF;
	_ =	strace $0x90000046  }
0xb3: {  	s29 =	simm.s32 $0x9;
	_ =	strace $0x80000048  }
0xb4: {  	_ =	swait.ge [sflag:s29], $0x1  }
0xb5: {  	[sflag:s29] =	ssyncadd.s32 $0xFFFFFFFF  }
0xb6: {  	_ =	strace $0x90000048  }
0xb7: {  	_ =	sfence  }
0xb8: {  	s30 =	sld [smem:$0x0];
	_ =	sdelay $0x2  }
0xb9: {  	s31 =	sshll.u32 s1, $0xD;
	s1 =	sshrl.u32 s1, $0x2  }
0xba: {  	s3 =	sand.u32 $0x4000, s31;
	s1 =	sadd.s32 s1, s30  }
0xbb: {  	s0 =	sor.u32 s3, s0;
	s1 =	sshll.u32 s1, $0x11  }
0xbc: {  	s0 =	sor.u32 s1, s0  }
0xbd: {  	s0 =	sadd.s32 $0x8F2B, s0  }
0xbe: {  	[sflag:s0] =	ssyncadd.remote.s32 $0x1  }
0xbf: {  	_ =	sfence.sel $0xFFFF  }
0xc0: {  	[dreg:$0x0] =	wrdreg $0xFFFFFFFF;
	(pc) =	sbr.abs _section_cstart, $3  }
0xc1: {  	[dreg:$0x1] =	wrdreg $0xFFFFFFFF  }
0xc2: {  	_ =	task.clear_ibuf [dreg:s7], $0x2FFFF;
	_ =	strace $0x9FFFFFFF  }
0xc3: {  	(tm) =	ssettm $0x7FFFFFFF  }
tec
execute0_lowered:
.L_overlay_start_1:
0x0: {  	(tag) =	ssettag $0x1  }
0x1: {  	s5 =	rddreg [dreg:$0x0]  }
0x2: {  	s1 =	srdreg.scid;
	s4 =	rddreg [dreg:$0x1]  }
0x3: {  	s0 =	stileid.u32;
	s2 =	rddreg [dreg:$0x2];
	s3 =	simm.s32 $0x0  }
0x4: {  	s11 =	simm.s32 $0x2710;
	s6 =	sand.u32 $0x1, s1;
	s7 =	smul.u32 $0x2800, s0  }
0x5: {  	s12 =	simm.s32 $0x1;
	s1 =	rddreg [dreg:$0x3];
	s8 =	smul.u32 $0x28000, s6  }
0x6: {  	s13 =	simm.s32 $0x0;
	[smem:$0x7FF] =	sst s3;
	s9 =	sshll.u32 s6, $0x4  }
0x7: {  	s6 =	ssub.s32 $0x2, s6;
	s9 =	sor.u32 s0, s9;
	s8 =	sadd.s32 s7, s8  }
0x8: {  	s31 =	sshrl.u32 s6, $0x1;
	s9 =	smul.u32 $0x2710, s9;
	s8 =	sshrl.u32 s8, $0x3  }
0x9: {  	_ =	strace $0x80000047;
	s10 =	ssub.s32 s6, s31;
	s8 =	sadd.s32 s8, s4  }
0xa: {  	s9 =	sshrl.u32 s9, $0x3;
	s4 =	sadd.s32 s7, s2;
	s7 =	smax.u32 s10, $0x1  }
0xb: {  	s10 =	simm.s32 $0x50;
	s5 =	sadd.s32 s5, s9;
	s6 =	sadd.s32 $0x2000, s8  }
0xc: {  	v0 =	vimm.f32 $1.000000000e+00;
	v1 =	vimm.f32 $0.0e+00;
	s8 =	simm.s32 $0x2C10;
	s9 =	simm.s32 $0x2;
	s5 =	sadd.s32 $0x9C40, s5  }
.LBB2_1:
0xd: {  	s14 =	simm.s32 $0x0  }
.LBB2_2:
0xe: {  	p0 =	sne.s32 s14, $0x13C0  }
.Ltmp0:
0xf: {  	_ = 	snop;
	(pc) =	sbr.rel @p0 .LBB2_2-.Ltmp0, $3  }
0x10: {  	_ =	sdelay $0x1  }
0x11: {  	s15 =	sshra.s32 s14, $0x2  }
0x12: {  	s14 =	sadd.s32 $0x40, s14;
	[tilespmem:s15+$0x2710] =	vst v0  }
0x13: {  	s14 =	simm.s32 $0x40;
	s15 =	simm.s32 $0x0  }
.LBB2_4:
0x14: {  	p0 =	sne.s32 s14, $0x9FC0;
	[tilespmem:s15+$0x2C10] =	vst v1;
	s15 =	smov.u32 s14;
	s14 =	sadd.s32 $0x40, s14  }
.Ltmp1:
0x15: {  	(pc) =	sbr.rel @p0 .LBB2_4-.Ltmp1, $2  }
0x16: {  	_ =	sdelay $0x2  }
0x17: {  	s15 =	sshra.s32 s15, $0x2  }
0x18: {  	[tilespmem:s15+$0x2C10] =	vst v1  }
0x19: {  	[spmem:s4] =	stream.linear.scatter [tilespmem:s8], [sflag:$0x2], $0x2800, $0x38;
	[tilespmem:$0x7C10] =	vst v63  }
0x1a: {  	_ =	swait.ge [sflag:s9], $0x2800  }
0x1b: {  	[sflag:s9] =	ssyncset.done $0x0  }
0x1c: {  	[sflag:s9] =	ssyncadd.s32 $0xFFFFD800  }
0x1d: {  	s14 =	simm.s32 $0x0;
	[bflag:$0x0] =	sbarrier.arrive $0xFFFF  }
0x1e: {  	[tilespmem:s14], [sflag:$0x2] =	stream.linear.gather [hbm4b:s5+s14], $0x2710, $0x38;
	[tilespmem:$0x7C10] =	vst v63  }
0x1f: {  	_ =	swait.ge [sflag:s9], $0x2710  }
0x20: {  	[sflag:s9] =	ssyncset.done $0x0  }
0x21: {  	[sflag:s9] =	ssyncadd.s32 $0xFFFFD8F0  }
.LBB2_6:
0x22: {  	p0 =	sne.s32 s14, $0x9B00  }
.Ltmp2:
0x23: {  	_ = 	snop;
	(pc) =	sbr.rel @p0 .LBB2_6-.Ltmp2, $3  }
0x24: {  	_ =	sdelay $0x1  }
0x25: {  	s15 =	sshra.s32 s14, $0x2;
	s14 =	sadd.s32 $0x140, s14  }
0x26: {  	[spmem:s2] =	stream.indirect.scatter.add.f32 [tilespmem:s11], [sflag:$0x1], $0x10, s15, s10, $0xb8;
	[tilespmem:$0x7C10] =	vst v63  }
0x27: {  	_ =	swait.ge [sflag:s12], $0x500  }
0x28: {  	s14 =	simm.s32 $0x7C;
	[sflag:s12] =	ssyncset.done $0x0  }
.LBB2_8:
0x29: {  	p0 =	sne.s32 s14, $0x1;
	s14 =	sadd.s32 $0xFFFFFFFF, s14;
	[sflag:s12] =	ssyncadd.s32 $0xFFFFFB00  }
.Ltmp3:
0x2a: {  	(pc) =	sbr.rel @p0 .LBB2_8-.Ltmp3, $3  }
0x2b: {  	_ =	sdelay $0x1  }
0x2c: {  	_ =	swait.ge [sflag:s12], $0x500  }
0x2d: {  	[sflag:s12] =	ssyncset.done $0x0  }
0x2e: {  	[sflag:s12] =	ssyncadd.s32 $0xFFFFFB00  }
0x2f: {  	[bflag:$0x0] =	sbarrier.arrive $0xFFFF  }
0x30: {  	[tilespmem:s8], [sflag:$0x2] =	stream.linear.gather [spmem:s4], $0x2800, $0x38;
	[tilespmem:$0x7C10] =	vst v63  }
0x31: {  	s13 =	sadd.s32 $0x1, s13;
	_ =	swait.ge [sflag:s9], $0x2800  }
0x32: {  	p0 =	sne.s32 s13, s7;
	[sflag:s9] =	ssyncset.done $0x0  }
.Ltmp4:
0x33: {  	[sflag:s9] =	ssyncadd.s32 $0xFFFFD800;
	(pc) =	sbr.rel @p0 .LBB2_1-.Ltmp4, $4  }
0x34: {  	[hbm4b:s6+s3] =	stream.linear.scatter [tilespmem:s8], [sflag:$0x2], $0x2800, $0x38;
	[tilespmem:$0x7C10] =	vst v63  }
0x35: {  	_ =	swait.ge [sflag:s9], $0x2800  }
0x36: {  	[sflag:s9] =	ssyncset.done $0x0  }
0x37: {  	[sflag:s9] =	ssyncadd.s32 $0xFFFFD800  }
0x38: {  	_ =	sfence.sel $0x180000  }
0x39: {  	[bflag:$0x0] =	sbarrier.arrive $0xFFFF  }
0x3a: {  	p0 =	sne.s32 s0, $0x0;
	_ =	strace $0x90000047  }
0x3b: {  	s0 =	sadd.s32 @!p0 $0x100000, s1;
	[bflag:$0x2] =	sbarrier.arrive $0xFFFF  }
0x3c: {  	[sflag:s0] =	ssyncadd.tile.s32 @!p0 $0x1;
	_ =	shalt  }
.Lfunc_end2:
_tile_overlayer_lowered:
.L_overlay_start_2:
0x3d: {  	(tag) =	ssettag $0x2  }
0x3e: {  	s0 =	rddreg [dreg:$0x0];
	s2 =	stileid.u32  }
0x3f: {  	s1 =	rddreg [dreg:$0x1];
	p0 =	sne.s32 s2, $0x0  }
0x40: {  	s3 =	rddreg [dreg:$0x2];
	[bflag:$0x3] =	sbarrier.arrive $0xFFFF;
	s2 =	simm.s32 @!p0 $0x1C02  }
0x41: {  	[timem:s3], [sflag:s2] =	dma.local @!p0 [hbm:s0], s1  }
0x42: {  	s0 =	simm.s32 @!p0 $0x2  }
0x43: {  	_ =	swait.ge @!p0 [sflag:s0], s1  }
0x44: {  	s1 =	ssub.s32 @!p0 $0x0, s1;
	[sflag:s0] =	ssyncset.done @!p0 $0x0  }
0x45: {  	[sflag:s0] =	ssyncadd.s32 @!p0 s1  }
0x46: {  	[bflag:$0x3] =	sbarrier.arrive $0xFFFF  }
0x47: {  	_ =	shalt  }

// kernel: kernel.9.cloned.1.call-start
scs
__scs_entry_jumppad:
0x0: {  	(pc) =	sbr.rel $0x88, $3  }
0x1: {  	(tag) =	ssettag $0x0;
	lr =	simm.s32 $0x1  }
0x2: {  	[smem:$0x3F9B] =	sst lr;
	_ =	strace $0xD0000000  }
0x3: {  	_ = 	snop  }
0x4: {  	_ = 	snop  }
0x5: {  	_ = 	snop  }
0x6: {  	_ = 	snop  }
0x7: {  	_ = 	snop  }
__scs_overlays_trampoline_lowered:
0x8: {  	[smem:$0x3FAA] =	sst s0  }
0x9: {  	[smem:$0x3FAB] =	sst s1  }
0xa: {  	[smem:$0x3FAC] =	sst s2  }
0xb: {  	[smem:$0x3FAD] =	sst s3  }
0xc: {  	[smem:$0x3FAE] =	sst s4  }
0xd: {  	[smem:$0x3FAF] =	sst s5  }
0xe: {  	[smem:$0x3FB0] =	sst s6  }
0xf: {  	[smem:$0x3FB1] =	sst s7  }
0x10: {  	[smem:$0x3FB2] =	sst s8  }
0x11: {  	[smem:$0x3FB3] =	sst s9;
	s0 =	simm.s32 @!p0 $0x0  }
0x12: {  	s1 =	sld [smem:$0x3F99];
	s0 =	simm.s32 @p0 $0x1  }
0x13: {  	[smem:$0x3FB4] =	sst s0;
	s0 =	simm.s32 @!p1 $0x0  }
0x14: {  	s2 =	sld [smem:$0x3F98];
	s0 =	simm.s32 @p1 $0x1  }
0x15: {  	[smem:$0x3FB5] =	sst s0;
	s0 =	simm.s32 @!p2 $0x0  }
0x16: {  	s3 =	sld [smem:$0x3FDB];
	s0 =	simm.s32 @p2 $0x1  }
0x17: {  	s4 =	simm.s32 $0x1BF5;
	[smem:$0x3FB7] =	sst s0  }
0x18: {  	s0 =	sld [smem:$0x3F9A];
	_ =	swait.ge [sflag:s4], $0x0  }
0x19: {  	s7 =	sld [smem:$0x3F9B]  }
0x1a: {  	s8 =	sadd.s32 $0xFFFFE003, lr  }
0x1b: {  	s9 =	sadd.s32 $0xFFFFFEF7, lr;
	s5 =	simm.s32 $0xFFFFFFFF;
	p2 =	slt.u32 s8, $0xFFFFF086  }
0x1c: {  	p1 =	slt.u32 s9, $0xF7A;
	s5 =	simm.s32 @!p2 $0x0  }
0x1d: {  	s5 =	simm.s32 @p1 $0x1;
	p0 =	seq.s32 s7, s2  }
0x1e: {  	s7 =	smul.u32 @!p0 $0xF7A, s2;
	p2 =	seq.s32 @!p0 s5, $0x0  }
0x1f: {  	s9 =	smul.u32 $0xF7A, s1;
	s8 =	simm.s32 @!p0 $0x1BF5;
	p2 =	por !p2, p0  }
0x20: {  	[sflag:s8] =	ssyncset.s32 @!p0 $0xFFFFF086;
	s6 =	sadd.s32 @!p0 s3, s7;
	s7 =	simm.s32 @!p0 $0x108  }
0x21: {  	s3 =	sadd.s32 s3, s9;
	s6 =	sadd.s32 @!p0 $0x88, s6;
	s7 =	simm.s32 @p2 $0x1082  }
0x22: {  	[simem:s7], [sflag:s8] =	dma.local @!p0 [hbm:s6], $0xF7A  }
0x23: {  	s9 =	sor.u32 $0xD0000000, s2;
	s6 =	simm.s32 $0x108;
	_ =	swait.ge @!p0 [sflag:s8], $0x0  }
0x24: {  	s3 =	sadd.s32 $0x88, s3;
	s6 =	simm.s32 @!p1 $0x1082;
	[sflag:s4] =	ssyncset.s32 $0xFFFFF086  }
0x25: {  	[simem:s6], [sflag:s4] =	dma.local [hbm:s3], $0xF7A  }
0x26: {  	[smem:$0x3F9B] =	sst s1;
	(tag) =	ssettag s2;
	_ =	strace s9  }
0x27: {  	s1 =	sld [smem:$0x3FAB]  }
0x28: {  	s2 =	sld [smem:$0x3FAC]  }
0x29: {  	s4 =	sld [smem:$0x3FAE]  }
0x2a: {  	p0 =	seq.s32 s5, $0x0;
	s5 =	sld [smem:$0x3FAF]  }
0x2b: {  	s6 =	sld [smem:$0x3FB0]  }
0x2c: {  	s7 =	sld [smem:$0x3FB1]  }
0x2d: {  	s3 =	simm.s32 $0x108;
	s8 =	sld [smem:$0x3FB2]  }
0x2e: {  	s3 =	simm.s32 @!p0 $0x1082;
	s9 =	sld [smem:$0x3FB3]  }
0x2f: {  	lr =	sadd.s32 s0, s3;
	s0 =	sld [smem:$0x3FAA]  }
0x30: {  	s3 =	sld [smem:$0x3FAD]  }
0x31: {  	[smem:$0x3FB6] =	sst s10  }
0x32: {  	s10 =	sld [smem:$0x3FB4];
	_ =	sdelay $0x3  }
0x33: {  	p0 =	seq.s32 s10, $0x1;
	s10 =	sld [smem:$0x3FB6];
	_ =	sdelay $0x3  }
0x34: {  	[smem:$0x3FB6] =	sst s10  }
0x35: {  	s10 =	sld [smem:$0x3FB5];
	_ =	sdelay $0x3  }
0x36: {  	p1 =	seq.s32 s10, $0x1;
	s10 =	sld [smem:$0x3FB6];
	_ =	sdelay $0x3  }
0x37: {  	[smem:$0x3FB6] =	sst s10  }
0x38: {  	s10 =	sld [smem:$0x3FB7]  }
0x39: {  	_ = 	snop;
	(pc) =	sbr.ind lr, $3  }
0x3a: {  	_ = 	snop  }
0x3b: {  	_ = 	snop  }
0x3c: {  	p2 =	seq.s32 s10, $0x1;
	s10 =	sld [smem:$0x3FB6]  }
0x3d: {  	_ =	shalt  }
0x3e: {  	_ =	shalt  }
0x3f: {  	_ =	shalt  }
0x40: {  	_ =	shalt  }
0x41: {  	_ =	shalt  }
0x42: {  	_ =	shalt  }
0x43: {  	_ =	shalt  }
0x44: {  	_ =	shalt  }
0x45: {  	_ =	shalt  }
0x46: {  	_ =	shalt  }
0x47: {  	_ =	shalt  }
0x48: {  	_ =	shalt  }
0x49: {  	_ =	shalt  }
0x4a: {  	_ =	shalt  }
0x4b: {  	_ =	shalt  }
0x4c: {  	_ =	shalt  }
0x4d: {  	_ =	shalt  }
0x4e: {  	_ =	shalt  }
0x4f: {  	_ =	shalt  }
0x50: {  	_ =	shalt  }
0x51: {  	_ =	shalt  }
0x52: {  	_ =	shalt  }
0x53: {  	_ =	shalt  }
0x54: {  	_ =	shalt  }
0x55: {  	_ =	shalt  }
0x56: {  	_ =	shalt  }
0x57: {  	_ =	shalt  }
0x58: {  	_ =	shalt  }
0x59: {  	_ =	shalt  }
0x5a: {  	_ =	shalt  }
0x5b: {  	_ =	shalt  }
0x5c: {  	_ =	shalt  }
0x5d: {  	_ =	shalt  }
0x5e: {  	_ =	shalt  }
0x5f: {  	_ =	shalt  }
0x60: {  	_ =	shalt  }
0x61: {  	_ =	shalt  }
0x62: {  	_ =	shalt  }
0x63: {  	_ =	shalt  }
0x64: {  	_ =	shalt  }
0x65: {  	_ =	shalt  }
0x66: {  	_ =	shalt  }
0x67: {  	_ =	shalt  }
0x68: {  	_ =	shalt  }
0x69: {  	_ =	shalt  }
0x6a: {  	_ =	shalt  }
0x6b: {  	_ =	shalt  }
0x6c: {  	_ =	shalt  }
0x6d: {  	_ =	shalt  }
0x6e: {  	_ =	shalt  }
0x6f: {  	_ =	shalt  }
0x70: {  	_ =	shalt  }
0x71: {  	_ =	shalt  }
0x72: {  	_ =	shalt  }
0x73: {  	_ =	shalt  }
0x74: {  	_ =	shalt  }
0x75: {  	_ =	shalt  }
0x76: {  	_ =	shalt  }
0x77: {  	_ =	shalt  }
0x78: {  	_ =	shalt  }
0x79: {  	_ =	shalt  }
0x7a: {  	_ =	shalt  }
0x7b: {  	_ =	shalt  }
0x7c: {  	_ =	shalt  }
0x7d: {  	_ =	shalt  }
0x7e: {  	_ =	shalt  }
0x7f: {  	_ =	shalt  }
0x80: {  	_ =	shalt  }
0x81: {  	_ =	shalt  }
0x82: {  	_ =	shalt  }
0x83: {  	_ =	shalt  }
0x84: {  	_ =	shalt  }
0x85: {  	_ =	shalt  }
0x86: {  	_ =	shalt  }
0x87: {  	_ =	shalt  }
.Lfunc_end0:
.L_simem_size_0:
called_computation.1_lowered:
.L_overlay_start_0:
0x88: {  	s2 =	sld [smem:$0x3FD9]  }
0x89: {  	s3 =	sld [smem:$0x3FFE];
	_ =	sdelay $0x1  }
0x8a: {  	s1 =	srdreg.scid  }
0x8b: {  	s0 =	sand.u32 $0x1, s1  }
0x8c: {  	s17 =	sshll.u32 s0, $0xA;
	s2 =	sadd.s32 s3, s2  }
0x8d: {  	s2 =	sadd.s32 s2, s17  }
0x8e: {  	[smem:$0x3FC2] =	sst s2  }
0x8f: {  	_ = 	snop  }
0x90: {  	s2 =	sld [smem:$0x3FD0];
	(tm) =	ssettm $0x1  }
0x91: {  	s18 =	sld [smem:$0x3FFB];
	_ =	sdelay $0x3  }
0x92: {  	_ =	strace s18  }
0x93: {  	s3 =	sld [smem:$0x3FFC];
	_ =	sdelay $0x3  }
0x94: {  	_ =	strace s3  }
0x95: {  	s3 =	sld [smem:$0x3FFD];
	_ =	sdelay $0x3  }
0x96: {  	_ =	strace s3  }
0x97: {  	_ =	strace $0x8FFFFFFF  }
0x98: {  	s19 =	sld [smem:$0x3FDB];
	_ =	sdelay $0x1  }
0x99: {  	s4 =	simm.s32 $_scs_section_size  }
0x9a: {  	s5 =	simm.s32 $_size__tile_overlayer_lowered;
	s6 =	simm.s32 $_tile_overlayer_lowered  }
0x9b: {  	s22 =	simm.s32 $0x1BFF;
	s21 =	sshll.u32 s6, $0x1;
	s3 =	sadd.s32 s4, s19  }
0x9c: {  	s7 =	simm.s32 $0x0;
	s20 =	sshll.u32 s5, $0x1;
	s5 =	sadd.s32 s21, s3  }
0x9d: {  	[timem:s7], [sflag:s22] =	dma.local [hbm:s5], s20  }
0x9e: {  	_ =	swait.ge [sflag:s22], s20  }
0x9f: {  	s4 =	ssub.s32 $0x0, s20;
	[sflag:s22] =	ssyncset.done $0x0  }
0xa0: {  	[sflag:s22] =	ssyncadd.s32 s4;
	_ =	sdelay $0x1  }
0xa1: {  	s23 =	simm.s32 $0x1B8B  }
0xa2: {  	_ =	swait.ge [sflag:s23], $0x1  }
0xa3: {  	[sflag:s23] =	ssyncset.done $0x0  }
0xa4: {  	s25 =	simm.s32 $0x1B8E;
	s24 =	sld [smem:$0x3FFE];
	[sflag:s23] =	ssyncadd.s32 $0xFFFFFFFF  }
0xa5: {  	s26 =	simm.s32 $execute0_lowered;
	[smem:$0x3FD2] =	sst s25  }
0xa6: {  	s5 =	sshll.u32 s26, $0x1;
	_ =	strace $0x80000049;
	[dreg:$0x1] =	wrdreg $0xFFFFFFFF  }
0xa7: {  	s28 =	simm.s32 $_size_execute0_lowered;
	s3 =	sadd.s32 s3, s5;
	[dreg:$0x0] =	wrdreg $0x0  }
0xa8: {  	s5 =	sshll.u32 s28, $0x1;
	[dreg:$0x2] =	wrdreg s3  }
0xa9: {  	[dreg:$0x3] =	wrdreg s5  }
0xaa: {  	[dreg:$0x4] =	wrdreg $0xC0  }
0xab: {  	_ =	task [dreg:s7], $0x5FFFF  }
0xac: {  	[dreg:$0x1] =	wrdreg $0xFFFFFFFF  }
0xad: {  	[dreg:$0x0] =	wrdreg $0x60  }
0xae: {  	[dreg:$0x2] =	wrdreg s24  }
0xaf: {  	[dreg:$0x3] =	wrdreg s2  }
0xb0: {  	[dreg:$0x4] =	wrdreg $0xD2200  }
0xb1: {  	[dreg:$0x5] =	wrdreg $0x9  }
0xb2: {  	_ =	task.clear_ibuf [dreg:s7], $0x6FFFF;
	_ =	strace $0x90000049  }
0xb3: {  	s29 =	simm.s32 $0x9;
	_ =	strace $0x8000004B  }
0xb4: {  	_ =	swait.ge [sflag:s29], $0x1  }
0xb5: {  	[sflag:s29] =	ssyncadd.s32 $0xFFFFFFFF  }
0xb6: {  	_ =	strace $0x9000004B  }
0xb7: {  	_ =	sfence  }
0xb8: {  	s30 =	sld [smem:$0x0];
	_ =	sdelay $0x2  }
0xb9: {  	s31 =	sshll.u32 s1, $0xD;
	s1 =	sshrl.u32 s1, $0x2  }
0xba: {  	s3 =	sand.u32 $0x4000, s31;
	s1 =	sadd.s32 s1, s30  }
0xbb: {  	s0 =	sor.u32 s3, s0;
	s1 =	sshll.u32 s1, $0x11  }
0xbc: {  	s0 =	sor.u32 s1, s0  }
0xbd: {  	s0 =	sadd.s32 $0x8F2B, s0  }
0xbe: {  	[sflag:s0] =	ssyncadd.remote.s32 $0x1  }
0xbf: {  	_ =	sfence.sel $0xFFFF  }
0xc0: {  	[dreg:$0x0] =	wrdreg $0xFFFFFFFF;
	(pc) =	sbr.abs _section_cstart, $3  }
0xc1: {  	[dreg:$0x1] =	wrdreg $0xFFFFFFFF  }
0xc2: {  	_ =	task.clear_ibuf [dreg:s7], $0x2FFFF;
	_ =	strace $0x9FFFFFFF  }
0xc3: {  	(tm) =	ssettm $0x7FFFFFFF  }
tec
execute0_lowered:
.L_overlay_start_1:
0x0: {  	(tag) =	ssettag $0x1  }
0x1: {  	s0 =	rddreg [dreg:$0x0]  }
0x2: {  	s1 =	rddreg [dreg:$0x1]  }
0x3: {  	s2 =	rddreg [dreg:$0x2];
	s3 =	srdreg.scid  }
0x4: {  	s9 =	stileid.u32;
	s4 =	simm.s32 $0x0;
	s16 =	simm.s32 $0xB  }
0x5: {  	s18 =	simm.s32 $0xB220;
	s19 =	simm.s32 $0x50;
	s28 =	simm.s32 $0x9E20  }
0x6: {  	s29 =	simm.s32 $0x1;
	s30 =	simm.s32 $0x2;
	s31 =	simm.s32 $0x3  }
0x7: {  	s17 =	simm.s32 $0x5;
	s13 =	simm.s32 $0x9;
	s14 =	simm.s32 $0xA  }
0x8: {  	s3 =	sand.u32 $0x1, s3;
	s6 =	smul.u32 $0xA000, s9;
	[smem:$0x7FF] =	sst s4  }
0x9: {  	s4 =	sadd.s32 $0x6FA00, s0;
	s5 =	smul.u32 $0xA0000, s3;
	s20 =	sshll.u32 s3, $0x4  }
0xa: {  	_ =	strace $0x8000004A;
	s3 =	ssub.s32 $0x2, s3;
	s7 =	sor.u32 s9, s20  }
0xb: {  	s9 =	smul.u32 $0x28000, s9;
	s21 =	sshrl.u32 s3, $0x1;
	s20 =	simm.s32 $0x4E20  }
0xc: {  	s8 =	sadd.s32 s6, s5;
	s7 =	smul.u32 $0x2710, s7;
	s5 =	sadd.s32 $0x5C000, s0  }
0xd: {  	s3 =	ssub.s32 s3, s21;
	s21 =	simm.s32 $0x6220;
	s8 =	sshrl.u32 s8, $0x3  }
0xe: {  	s22 =	sshrl.u32 s9, $0x2;
	s25 =	smax.u32 s3, $0x1;
	s3 =	simm.s32 $0x7  }
0xf: {  	s0 =	sadd.s32 s8, s0;
	s7 =	sshrl.u32 s7, $0x3;
	s8 =	sadd.s32 s6, s2  }
0x10: {  	[dreg:$0x9] =	wrdreg s25;
	s25 =	simm.s32 $0x8A20;
	s7 =	sadd.s32 s1, s7  }
0x11: {  	s1 =	sadd.s32 s22, s2;
	s24 =	sadd.s32 $0xAB400, s0;
	s0 =	sadd.s32 $0x83400, s0  }
0x12: {  	s22 =	simm.s32 $0x0;
	[dreg:$0x4] =	wrdreg s7;
	s7 =	sadd.s32 $0x9C40, s7  }
0x13: {  	s26 =	sadd.s32 $0x2000, s1;
	s23 =	sadd.s32 $0x4000, s1;
	[dreg:$0x7] =	wrdreg s24  }
0x14: {  	s11 =	sadd.s32 $0x6000, s1;
	s12 =	sadd.s32 $0x8000, s1;
	[dreg:$0x8] =	wrdreg s0  }
0x15: {  	s0 =	simm.s32 $0x4;
	s1 =	simm.s32 $0x6;
	[dreg:$0x5] =	wrdreg s7  }
0x16: {  	v0 =	vimm.f32 $0.0e+00;
	[dreg:$0x6] =	wrdreg s23;
	s23 =	simm.s32 $0x7620;
	s7 =	simm.s32 $0x8  }
.LBB2_1:
0x17: {  	s6 =	simm.s32 $0x0;
	s9 =	rddreg [dreg:$0x4]  }
0x18: {  	[tilespmem:s6], [sflag:$0xB] =	stream.linear.gather [hbm4b:s9+s6], $0x2710, $0x38;
	[tilespmem:$0x17220] =	vst v63  }
0x19: {  	_ =	swait.ge [sflag:s16], $0x2710  }
0x1a: {  	[sflag:s16] =	ssyncset.done $0x0  }
0x1b: {  	s10 =	simm.s32 $0x2710;
	s24 =	rddreg [dreg:$0x5];
	[sflag:s16] =	ssyncadd.s32 $0xFFFFD8F0  }
0x1c: {  	[tilespmem:s10], [sflag:$0xB] =	stream.linear.gather [hbm4b:s24+s6], $0x2710, $0x38;
	[tilespmem:$0x17220] =	vst v63  }
0x1d: {  	_ =	swait.ge [sflag:s16], $0x2710  }
0x1e: {  	[sflag:s16] =	ssyncset.done $0x0  }
0x1f: {  	s15 =	simm.s32 $0x100;
	s6 =	simm.s32 $0x0;
	[sflag:s16] =	ssyncadd.s32 $0xFFFFD8F0  }
.LBB2_2:
0x20: {  	p0 =	sne.s32 s15, $0x7F00;
	[tilespmem:s6+$0xB250] =	vst v0;
	s24 =	smov.u32 s15;
	s15 =	sadd.s32 $0x100, s15  }
.Ltmp0:
0x21: {  	[tilespmem:s6+$0xB240] =	vst v0;
	(pc) =	sbr.rel @p0 .LBB2_2-.Ltmp0, $3  }
0x22: {  	[tilespmem:s6+$0xB220] =	vst v0  }
0x23: {  	[tilespmem:s6+$0xB230] =	vst v0;
	_ =	sdelay $0x1  }
0x24: {  	s6 =	sshra.s32 s24, $0x2  }
0x25: {  	[tilespmem:s6+$0xB250] =	vst v0  }
0x26: {  	[tilespmem:s6+$0xB240] =	vst v0  }
0x27: {  	[tilespmem:s6+$0xB220] =	vst v0  }
0x28: {  	[tilespmem:s6+$0xB230] =	vst v0  }
0x29: {  	[spmem:s8] =	stream.linear.scatter [tilespmem:s18], [sflag:$0xB], $0x2000, $0x38;
	[tilespmem:$0x17220] =	vst v63  }
0x2a: {  	_ =	swait.ge [sflag:s16], $0x2000  }
0x2b: {  	[sflag:s16] =	ssyncset.done $0x0  }
0x2c: {  	[sflag:s16] =	ssyncadd.s32 $0xFFFFE000  }
0x2d: {  	[spmem:s26] =	stream.linear.scatter [tilespmem:s18], [sflag:$0xB], $0x2000, $0x38;
	[tilespmem:$0x17220] =	vst v63  }
0x2e: {  	_ =	swait.ge [sflag:s16], $0x2000  }
0x2f: {  	[sflag:s16] =	ssyncset.done $0x0  }
0x30: {  	s15 =	rddreg [dreg:$0x6];
	[sflag:s16] =	ssyncadd.s32 $0xFFFFE000  }
0x31: {  	[spmem:s15] =	stream.linear.scatter [tilespmem:s18], [sflag:$0xB], $0x2000, $0x38;
	[tilespmem:$0x17220] =	vst v63  }
0x32: {  	_ =	swait.ge [sflag:s16], $0x2000  }
0x33: {  	[sflag:s16] =	ssyncset.done $0x0  }
0x34: {  	[sflag:s16] =	ssyncadd.s32 $0xFFFFE000  }
0x35: {  	[spmem:s11] =	stream.linear.scatter [tilespmem:s18], [sflag:$0xB], $0x2000, $0x38;
	[tilespmem:$0x17220] =	vst v63  }
0x36: {  	_ =	swait.ge [sflag:s16], $0x2000  }
0x37: {  	[sflag:s16] =	ssyncset.done $0x0  }
0x38: {  	[sflag:s16] =	ssyncadd.s32 $0xFFFFE000  }
0x39: {  	[spmem:s12] =	stream.linear.scatter [tilespmem:s18], [sflag:$0xB], $0x2000, $0x38;
	[tilespmem:$0x17220] =	vst v63  }
0x3a: {  	_ =	swait.ge [sflag:s16], $0x2000  }
0x3b: {  	[sflag:s16] =	ssyncset.done $0x0  }
0x3c: {  	[sflag:s16] =	ssyncadd.s32 $0xFFFFE000  }
0x3d: {  	s24 =	simm.s32 $0x0;
	[bflag:$0x0] =	sbarrier.arrive $0xFFFF  }
0x3e: {  	[tilespmem:s20], [sflag:$0x1] =	stream.indirect.gather [hbm4b:s4+s19], $0x40, s24, s19, $0xb8;
	[tilespmem:$0x17220] =	vst v63  }
0x3f: {  	_ = 	snop  }
0x40: {  	[tilespmem:s21], [sflag:$0x2] =	stream.indirect.gather [hbm4b:s4+s19], $0x40, s19, s19, $0xb8;
	[tilespmem:$0x17220] =	vst v63  }
0x41: {  	s9 =	simm.s32 $0xA0  }
0x42: {  	[tilespmem:s23], [sflag:$0x3] =	stream.indirect.gather [hbm4b:s4+s19], $0x40, s9, s19, $0xb8;
	[tilespmem:$0x17220] =	vst v63  }
0x43: {  	s10 =	simm.s32 $0xF0  }
0x44: {  	[tilespmem:s25], [sflag:$0x4] =	stream.indirect.gather [hbm4b:s4+s19], $0x40, s10, s19, $0xb8;
	[tilespmem:$0x17220] =	vst v63  }
0x45: {  	s15 =	simm.s32 $0x140  }
0x46: {  	[tilespmem:s28], [sflag:$0x5] =	stream.indirect.gather [hbm4b:s4+s19], $0x40, s15, s19, $0xb8;
	[tilespmem:$0x17220] =	vst v63  }
0x47: {  	_ =	swait.ge [sflag:s29], $0x1400  }
0x48: {  	[sflag:s29] =	ssyncset.done $0x0  }
0x49: {  	s24 =	simm.s32 $0x2710;
	[sflag:s29] =	ssyncadd.s32 $0xFFFFEC00  }
0x4a: {  	[spmem:s2] =	stream.indirect.scatter.add.f32 [tilespmem:s20], [sflag:$0x6], $0x40, s24, s19, $0xb8;
	[tilespmem:$0x17220] =	vst v63  }
0x4b: {  	_ =	swait.ge [sflag:s30], $0x1400  }
0x4c: {  	[sflag:s30] =	ssyncset.done $0x0  }
0x4d: {  	s9 =	simm.s32 $0x2760;
	[sflag:s30] =	ssyncadd.s32 $0xFFFFEC00  }
0x4e: {  	[spmem:s2] =	stream.indirect.scatter.add.f32 [tilespmem:s21], [sflag:$0x7], $0x40, s9, s19, $0xb8;
	[tilespmem:$0x17220] =	vst v63  }
0x4f: {  	_ =	swait.ge [sflag:s31], $0x1400  }
0x50: {  	[sflag:s31] =	ssyncset.done $0x0  }
0x51: {  	s10 =	simm.s32 $0x27B0;
	[sflag:s31] =	ssyncadd.s32 $0xFFFFEC00  }
0x52: {  	[spmem:s2] =	stream.indirect.scatter.add.f32 [tilespmem:s23], [sflag:$0x8], $0x40, s10, s19, $0xb8;
	[tilespmem:$0x17220] =	vst v63  }
0x53: {  	_ =	swait.ge [sflag:s0], $0x1400  }
0x54: {  	[sflag:s0] =	ssyncset.done $0x0  }
0x55: {  	s15 =	simm.s32 $0x2800;
	[sflag:s0] =	ssyncadd.s32 $0xFFFFEC00  }
0x56: {  	[spmem:s2] =	stream.indirect.scatter.add.f32 [tilespmem:s25], [sflag:$0x9], $0x40, s15, s19, $0xb8;
	[tilespmem:$0x17220] =	vst v63  }
0x57: {  	_ =	swait.ge [sflag:s17], $0x1400  }
0x58: {  	[sflag:s17] =	ssyncset.done $0x0  }
0x59: {  	s24 =	simm.s32 $0x2850;
	[sflag:s17] =	ssyncadd.s32 $0xFFFFEC00  }
0x5a: {  	[spmem:s2] =	stream.indirect.scatter.add.f32 [tilespmem:s28], [sflag:$0xA], $0x40, s24, s19, $0xb8;
	[tilespmem:$0x17220] =	vst v63  }
0x5b: {  	_ =	swait.ge [sflag:s1], $0x1400  }
0x5c: {  	[sflag:s1] =	ssyncset.done $0x0  }
0x5d: {  	s9 =	simm.s32 $0x190;
	[sflag:s1] =	ssyncadd.s32 $0xFFFFEC00  }
0x5e: {  	[tilespmem:s20], [sflag:$0x1] =	stream.indirect.gather [hbm4b:s4+s19], $0x40, s9, s19, $0xb8;
	[tilespmem:$0x17220] =	vst v63  }
0x5f: {  	_ =	swait.ge [sflag:s3], $0x1400  }
0x60: {  	[sflag:s3] =	ssyncset.done $0x0  }
0x61: {  	s10 =	simm.s32 $0x1E0;
	[sflag:s3] =	ssyncadd.s32 $0xFFFFEC00  }
0x62: {  	[tilespmem:s21], [sflag:$0x2] =	stream.indirect.gather [hbm4b:s4+s19], $0x40, s10, s19, $0xb8;
	[tilespmem:$0x17220] =	vst v63  }
0x63: {  	_ =	swait.ge [sflag:s7], $0x1400  }
0x64: {  	[sflag:s7] =	ssyncset.done $0x0  }
0x65: {  	s15 =	simm.s32 $0x230;
	[sflag:s7] =	ssyncadd.s32 $0xFFFFEC00  }
0x66: {  	[tilespmem:s23], [sflag:$0x3] =	stream.indirect.gather [hbm4b:s4+s19], $0x40, s15, s19, $0xb8;
	[tilespmem:$0x17220] =	vst v63  }
0x67: {  	_ =	swait.ge [sflag:s13], $0x1400  }
0x68: {  	[sflag:s13] =	ssyncset.done $0x0  }
0x69: {  	s24 =	simm.s32 $0x280;
	[sflag:s13] =	ssyncadd.s32 $0xFFFFEC00  }
0x6a: {  	[tilespmem:s25], [sflag:$0x4] =	stream.indirect.gather [hbm4b:s4+s19], $0x40, s24, s19, $0xb8;
	[tilespmem:$0x17220] =	vst v63  }
0x6b: {  	_ =	swait.ge [sflag:s14], $0x1400  }
0x6c: {  	[sflag:s14] =	ssyncset.done $0x0  }
0x6d: {  	s6 =	simm.s32 $0x2D0;
	s15 =	simm.s32 $0x640;
	[sflag:s14] =	ssyncadd.s32 $0xFFFFEC00  }
.LBB2_4:
0x6e: {  	[tilespmem:s28], [sflag:$0x5] =	stream.indirect.gather [hbm4b:s4+s19], $0x40, s6, s19, $0xb8;
	[tilespmem:$0x17220] =	vst v63  }
0x6f: {  	s6 =	smov.u32 s15  }
0x70: {  	p0 =	sne.s32 s15, $0x8FC0;
	s15 =	sadd.s32 $0x640, s15;
	_ =	swait.ge [sflag:s29], $0x1400  }
0x71: {  	s24 =	sshra.s32 s6, $0x2;
	[sflag:s29] =	ssyncset.done $0x0  }
0x72: {  	s6 =	sadd.s32 $0x2710, s24;
	[sflag:s29] =	ssyncadd.s32 $0xFFFFEC00  }
0x73: {  	[spmem:s2] =	stream.indirect.scatter.add.f32 [tilespmem:s20], [sflag:$0x6], $0x40, s6, s19, $0xb8;
	[tilespmem:$0x17220] =	vst v63  }
0x74: {  	_ =	swait.ge [sflag:s30], $0x1400  }
0x75: {  	[sflag:s30] =	ssyncset.done $0x0  }
0x76: {  	s6 =	sadd.s32 $0x2760, s24;
	[sflag:s30] =	ssyncadd.s32 $0xFFFFEC00  }
0x77: {  	[spmem:s2] =	stream.indirect.scatter.add.f32 [tilespmem:s21], [sflag:$0x7], $0x40, s6, s19, $0xb8;
	[tilespmem:$0x17220] =	vst v63  }
0x78: {  	_ =	swait.ge [sflag:s31], $0x1400  }
0x79: {  	[sflag:s31] =	ssyncset.done $0x0  }
0x7a: {  	s6 =	sadd.s32 $0x27B0, s24;
	[sflag:s31] =	ssyncadd.s32 $0xFFFFEC00  }
0x7b: {  	[spmem:s2] =	stream.indirect.scatter.add.f32 [tilespmem:s23], [sflag:$0x8], $0x40, s6, s19, $0xb8;
	[tilespmem:$0x17220] =	vst v63  }
0x7c: {  	_ =	swait.ge [sflag:s0], $0x1400  }
0x7d: {  	[sflag:s0] =	ssyncset.done $0x0  }
0x7e: {  	s6 =	sadd.s32 $0x2800, s24;
	[sflag:s0] =	ssyncadd.s32 $0xFFFFEC00  }
0x7f: {  	[spmem:s2] =	stream.indirect.scatter.add.f32 [tilespmem:s25], [sflag:$0x9], $0x40, s6, s19, $0xb8;
	[tilespmem:$0x17220] =	vst v63  }
0x80: {  	_ =	swait.ge [sflag:s17], $0x1400  }
0x81: {  	[sflag:s17] =	ssyncset.done $0x0  }
0x82: {  	s6 =	sadd.s32 $0x2850, s24;
	[sflag:s17] =	ssyncadd.s32 $0xFFFFEC00  }
0x83: {  	[spmem:s2] =	stream.indirect.scatter.add.f32 [tilespmem:s28], [sflag:$0xA], $0x40, s6, s19, $0xb8;
	[tilespmem:$0x17220] =	vst v63  }
0x84: {  	_ =	swait.ge [sflag:s1], $0x1400  }
0x85: {  	[sflag:s1] =	ssyncset.done $0x0  }
0x86: {  	s6 =	sadd.s32 $0x190, s24;
	[sflag:s1] =	ssyncadd.s32 $0xFFFFEC00  }
0x87: {  	[tilespmem:s20], [sflag:$0x1] =	stream.indirect.gather [hbm4b:s4+s19], $0x40, s6, s19, $0xb8;
	[tilespmem:$0x17220] =	vst v63  }
0x88: {  	_ =	swait.ge [sflag:s3], $0x1400  }
0x89: {  	[sflag:s3] =	ssyncset.done $0x0  }
0x8a: {  	s6 =	sadd.s32 $0x1E0, s24;
	[sflag:s3] =	ssyncadd.s32 $0xFFFFEC00  }
0x8b: {  	[tilespmem:s21], [sflag:$0x2] =	stream.indirect.gather [hbm4b:s4+s19], $0x40, s6, s19, $0xb8;
	[tilespmem:$0x17220] =	vst v63  }
0x8c: {  	_ =	swait.ge [sflag:s7], $0x1400  }
0x8d: {  	[sflag:s7] =	ssyncset.done $0x0  }
0x8e: {  	s6 =	sadd.s32 $0x230, s24;
	[sflag:s7] =	ssyncadd.s32 $0xFFFFEC00  }
0x8f: {  	[tilespmem:s23], [sflag:$0x3] =	stream.indirect.gather [hbm4b:s4+s19], $0x40, s6, s19, $0xb8;
	[tilespmem:$0x17220] =	vst v63  }
0x90: {  	_ =	swait.ge [sflag:s13], $0x1400  }
0x91: {  	[sflag:s13] =	ssyncset.done $0x0  }
.Ltmp1:
0x92: {  	s6 =	sadd.s32 $0x280, s24;
	[sflag:s13] =	ssyncadd.s32 $0xFFFFEC00;
	(pc) =	sbr.rel @p0 .LBB2_4-.Ltmp1, $4  }
0x93: {  	[tilespmem:s25], [sflag:$0x4] =	stream.indirect.gather [hbm4b:s4+s19], $0x40, s6, s19, $0xb8;
	[tilespmem:$0x17220] =	vst v63  }
0x94: {  	_ =	swait.ge [sflag:s14], $0x1400  }
0x95: {  	[sflag:s14] =	ssyncset.done $0x0  }
0x96: {  	s6 =	sadd.s32 $0x2D0, s24;
	[sflag:s14] =	ssyncadd.s32 $0xFFFFEC00  }
0x97: {  	[tilespmem:s28], [sflag:$0x5] =	stream.indirect.gather [hbm4b:s4+s19], $0x40, s6, s19, $0xb8;
	[tilespmem:$0x17220] =	vst v63  }
0x98: {  	_ =	swait.ge [sflag:s29], $0x1400  }
0x99: {  	[sflag:s29] =	ssyncset.done $0x0  }
0x9a: {  	s24 =	simm.s32 $0x4C90;
	[sflag:s29] =	ssyncadd.s32 $0xFFFFEC00  }
0x9b: {  	[spmem:s2] =	stream.indirect.scatter.add.f32 [tilespmem:s20], [sflag:$0x6], $0x40, s24, s19, $0xb8;
	[tilespmem:$0x17220] =	vst v63  }
0x9c: {  	_ =	swait.ge [sflag:s30], $0x1400  }
0x9d: {  	[sflag:s30] =	ssyncset.done $0x0  }
0x9e: {  	s9 =	simm.s32 $0x4CE0;
	[sflag:s30] =	ssyncadd.s32 $0xFFFFEC00  }
0x9f: {  	[spmem:s2] =	stream.indirect.scatter.add.f32 [tilespmem:s21], [sflag:$0x7], $0x40, s9, s19, $0xb8;
	[tilespmem:$0x17220] =	vst v63  }
0xa0: {  	_ =	swait.ge [sflag:s31], $0x1400  }
0xa1: {  	[sflag:s31] =	ssyncset.done $0x0  }
0xa2: {  	s10 =	simm.s32 $0x4D30;
	[sflag:s31] =	ssyncadd.s32 $0xFFFFEC00  }
0xa3: {  	[spmem:s2] =	stream.indirect.scatter.add.f32 [tilespmem:s23], [sflag:$0x8], $0x40, s10, s19, $0xb8;
	[tilespmem:$0x17220] =	vst v63  }
0xa4: {  	_ =	swait.ge [sflag:s0], $0x1400  }
0xa5: {  	[sflag:s0] =	ssyncset.done $0x0  }
0xa6: {  	s15 =	simm.s32 $0x4D80;
	[sflag:s0] =	ssyncadd.s32 $0xFFFFEC00  }
0xa7: {  	[spmem:s2] =	stream.indirect.scatter.add.f32 [tilespmem:s25], [sflag:$0x9], $0x40, s15, s19, $0xb8;
	[tilespmem:$0x17220] =	vst v63  }
0xa8: {  	_ =	swait.ge [sflag:s17], $0x1400  }
0xa9: {  	[sflag:s17] =	ssyncset.done $0x0  }
0xaa: {  	s24 =	simm.s32 $0x4DD0;
	[sflag:s17] =	ssyncadd.s32 $0xFFFFEC00  }
0xab: {  	[spmem:s2] =	stream.indirect.scatter.add.f32 [tilespmem:s28], [sflag:$0xA], $0x40, s24, s19, $0xb8;
	[tilespmem:$0x17220] =	vst v63  }
0xac: {  	_ =	swait.ge [sflag:s1], $0x1400  }
0xad: {  	[sflag:s1] =	ssyncset.done $0x0  }
0xae: {  	[sflag:s1] =	ssyncadd.s32 $0xFFFFEC00  }
0xaf: {  	_ =	swait.ge [sflag:s3], $0x1400  }
0xb0: {  	[sflag:s3] =	ssyncset.done $0x0  }
0xb1: {  	[sflag:s3] =	ssyncadd.s32 $0xFFFFEC00  }
0xb2: {  	_ =	swait.ge [sflag:s7], $0x1400  }
0xb3: {  	[sflag:s7] =	ssyncset.done $0x0  }
0xb4: {  	[sflag:s7] =	ssyncadd.s32 $0xFFFFEC00  }
0xb5: {  	_ =	swait.ge [sflag:s13], $0x1400  }
0xb6: {  	[sflag:s13] =	ssyncset.done $0x0  }
0xb7: {  	[sflag:s13] =	ssyncadd.s32 $0xFFFFEC00  }
0xb8: {  	_ =	swait.ge [sflag:s14], $0x1400  }
0xb9: {  	[sflag:s14] =	ssyncset.done $0x0  }
0xba: {  	s9 =	stileid.u32;
	[sflag:s14] =	ssyncadd.s32 $0xFFFFEC00  }
0xbb: {  	s6 =	sshll.u32 s9, $0x6;
	[bflag:$0x0] =	sbarrier.arrive $0xFFFF  }
0xbc: {  	s15 =	sor.u32 $0x1C0B, s6;
	s24 =	sshrl.u32 s8, $0x3;
	s10 =	rddreg [dreg:$0x7]  }
0xbd: {  	[hbm:s10], [sflag:s15] =	dma.local [spmem:s24], $0x1400  }
0xbe: {  	_ =	swait.ge [sflag:s16], $0x1400  }
0xbf: {  	[sflag:s16] =	ssyncset.done $0x0  }
0xc0: {  	[sflag:s16] =	ssyncadd.s32 $0xFFFFEC00  }
0xc1: {  	[spmem:s8] =	stream.linear.scatter [tilespmem:s18], [sflag:$0xB], $0x2000, $0x38;
	[tilespmem:$0x17220] =	vst v63  }
0xc2: {  	_ =	swait.ge [sflag:s16], $0x2000  }
0xc3: {  	[sflag:s16] =	ssyncset.done $0x0  }
0xc4: {  	[sflag:s16] =	ssyncadd.s32 $0xFFFFE000  }
0xc5: {  	[spmem:s26] =	stream.linear.scatter [tilespmem:s18], [sflag:$0xB], $0x2000, $0x38;
	[tilespmem:$0x17220] =	vst v63  }
0xc6: {  	_ =	swait.ge [sflag:s16], $0x2000  }
0xc7: {  	[sflag:s16] =	ssyncset.done $0x0  }
0xc8: {  	s9 =	rddreg [dreg:$0x6];
	[sflag:s16] =	ssyncadd.s32 $0xFFFFE000  }
0xc9: {  	[spmem:s9] =	stream.linear.scatter [tilespmem:s18], [sflag:$0xB], $0x2000, $0x38;
	[tilespmem:$0x17220] =	vst v63  }
0xca: {  	_ =	swait.ge [sflag:s16], $0x2000  }
0xcb: {  	[sflag:s16] =	ssyncset.done $0x0  }
0xcc: {  	[sflag:s16] =	ssyncadd.s32 $0xFFFFE000  }
0xcd: {  	[spmem:s11] =	stream.linear.scatter [tilespmem:s18], [sflag:$0xB], $0x2000, $0x38;
	[tilespmem:$0x17220] =	vst v63  }
0xce: {  	_ =	swait.ge [sflag:s16], $0x2000  }
0xcf: {  	[sflag:s16] =	ssyncset.done $0x0  }
0xd0: {  	[sflag:s16] =	ssyncadd.s32 $0xFFFFE000  }
0xd1: {  	[spmem:s12] =	stream.linear.scatter [tilespmem:s18], [sflag:$0xB], $0x2000, $0x38;
	[tilespmem:$0x17220] =	vst v63  }
0xd2: {  	_ =	swait.ge [sflag:s16], $0x2000  }
0xd3: {  	[sflag:s16] =	ssyncset.done $0x0  }
0xd4: {  	[sflag:s16] =	ssyncadd.s32 $0xFFFFE000  }
0xd5: {  	s10 =	smov.u32 s26;
	s26 =	simm.s32 $0x0;
	[bflag:$0x0] =	sbarrier.arrive $0xFFFF  }
0xd6: {  	[tilespmem:s20], [sflag:$0x1] =	stream.indirect.gather [hbm4b:s5+s19], $0x40, s26, s19, $0xb8;
	[tilespmem:$0x17220] =	vst v63  }
0xd7: {  	_ = 	snop  }
0xd8: {  	[tilespmem:s21], [sflag:$0x2] =	stream.indirect.gather [hbm4b:s5+s19], $0x40, s19, s19, $0xb8;
	[tilespmem:$0x17220] =	vst v63  }
0xd9: {  	s9 =	simm.s32 $0xA0  }
0xda: {  	[tilespmem:s23], [sflag:$0x3] =	stream.indirect.gather [hbm4b:s5+s19], $0x40, s9, s19, $0xb8;
	[tilespmem:$0x17220] =	vst v63  }
0xdb: {  	s26 =	simm.s32 $0xF0  }
0xdc: {  	[tilespmem:s25], [sflag:$0x4] =	stream.indirect.gather [hbm4b:s5+s19], $0x40, s26, s19, $0xb8;
	[tilespmem:$0x17220] =	vst v63  }
0xdd: {  	s9 =	simm.s32 $0x140  }
0xde: {  	[tilespmem:s28], [sflag:$0x5] =	stream.indirect.gather [hbm4b:s5+s19], $0x40, s9, s19, $0xb8;
	[tilespmem:$0x17220] =	vst v63  }
0xdf: {  	_ =	swait.ge [sflag:s29], $0x1400  }
0xe0: {  	[sflag:s29] =	ssyncset.done $0x0  }
0xe1: {  	s26 =	simm.s32 $0x2710;
	[sflag:s29] =	ssyncadd.s32 $0xFFFFEC00  }
0xe2: {  	[spmem:s2] =	stream.indirect.scatter.add.f32 [tilespmem:s20], [sflag:$0x6], $0x40, s26, s19, $0xb8;
	[tilespmem:$0x17220] =	vst v63  }
0xe3: {  	_ =	swait.ge [sflag:s30], $0x1400  }
0xe4: {  	[sflag:s30] =	ssyncset.done $0x0  }
0xe5: {  	s9 =	simm.s32 $0x2760;
	[sflag:s30] =	ssyncadd.s32 $0xFFFFEC00  }
0xe6: {  	[spmem:s2] =	stream.indirect.scatter.add.f32 [tilespmem:s21], [sflag:$0x7], $0x40, s9, s19, $0xb8;
	[tilespmem:$0x17220] =	vst v63  }
0xe7: {  	_ =	swait.ge [sflag:s31], $0x1400  }
0xe8: {  	[sflag:s31] =	ssyncset.done $0x0  }
0xe9: {  	s26 =	simm.s32 $0x27B0;
	[sflag:s31] =	ssyncadd.s32 $0xFFFFEC00  }
0xea: {  	[spmem:s2] =	stream.indirect.scatter.add.f32 [tilespmem:s23], [sflag:$0x8], $0x40, s26, s19, $0xb8;
	[tilespmem:$0x17220] =	vst v63  }
0xeb: {  	_ =	swait.ge [sflag:s0], $0x1400  }
0xec: {  	[sflag:s0] =	ssyncset.done $0x0  }
0xed: {  	s9 =	simm.s32 $0x2800;
	[sflag:s0] =	ssyncadd.s32 $0xFFFFEC00  }
0xee: {  	[spmem:s2] =	stream.indirect.scatter.add.f32 [tilespmem:s25], [sflag:$0x9], $0x40, s9, s19, $0xb8;
	[tilespmem:$0x17220] =	vst v63  }
0xef: {  	_ =	swait.ge [sflag:s17], $0x1400  }
0xf0: {  	[sflag:s17] =	ssyncset.done $0x0  }
0xf1: {  	s26 =	simm.s32 $0x2850;
	[sflag:s17] =	ssyncadd.s32 $0xFFFFEC00  }
0xf2: {  	[spmem:s2] =	stream.indirect.scatter.add.f32 [tilespmem:s28], [sflag:$0xA], $0x40, s26, s19, $0xb8;
	[tilespmem:$0x17220] =	vst v63  }
0xf3: {  	_ =	swait.ge [sflag:s1], $0x1400  }
0xf4: {  	[sflag:s1] =	ssyncset.done $0x0  }
0xf5: {  	s9 =	simm.s32 $0x190;
	[sflag:s1] =	ssyncadd.s32 $0xFFFFEC00  }
0xf6: {  	[tilespmem:s20], [sflag:$0x1] =	stream.indirect.gather [hbm4b:s5+s19], $0x40, s9, s19, $0xb8;
	[tilespmem:$0x17220] =	vst v63  }
0xf7: {  	_ =	swait.ge [sflag:s3], $0x1400  }
0xf8: {  	[sflag:s3] =	ssyncset.done $0x0  }
0xf9: {  	s26 =	simm.s32 $0x1E0;
	[sflag:s3] =	ssyncadd.s32 $0xFFFFEC00  }
0xfa: {  	[tilespmem:s21], [sflag:$0x2] =	stream.indirect.gather [hbm4b:s5+s19], $0x40, s26, s19, $0xb8;
	[tilespmem:$0x17220] =	vst v63  }
0xfb: {  	_ =	swait.ge [sflag:s7], $0x1400  }
0xfc: {  	[sflag:s7] =	ssyncset.done $0x0  }
0xfd: {  	s9 =	simm.s32 $0x230;
	[sflag:s7] =	ssyncadd.s32 $0xFFFFEC00  }
0xfe: {  	[tilespmem:s23], [sflag:$0x3] =	stream.indirect.gather [hbm4b:s5+s19], $0x40, s9, s19, $0xb8;
	[tilespmem:$0x17220] =	vst v63  }
0xff: {  	_ =	swait.ge [sflag:s13], $0x1400  }
0x100: {  	[sflag:s13] =	ssyncset.done $0x0  }
0x101: {  	s26 =	simm.s32 $0x280;
	[sflag:s13] =	ssyncadd.s32 $0xFFFFEC00  }
0x102: {  	[tilespmem:s25], [sflag:$0x4] =	stream.indirect.gather [hbm4b:s5+s19], $0x40, s26, s19, $0xb8;
	[tilespmem:$0x17220] =	vst v63  }
0x103: {  	_ =	swait.ge [sflag:s14], $0x1400  }
0x104: {  	[sflag:s14] =	ssyncset.done $0x0  }
0x105: {  	s6 =	simm.s32 $0x2D0;
	s26 =	simm.s32 $0x640;
	[sflag:s14] =	ssyncadd.s32 $0xFFFFEC00  }
.LBB2_6:
0x106: {  	[tilespmem:s28], [sflag:$0x5] =	stream.indirect.gather [hbm4b:s5+s19], $0x40, s6, s19, $0xb8;
	[tilespmem:$0x17220] =	vst v63  }
0x107: {  	s6 =	smov.u32 s26  }
0x108: {  	p0 =	sne.s32 s26, $0x8FC0;
	s26 =	sadd.s32 $0x640, s26;
	_ =	swait.ge [sflag:s29], $0x1400  }
0x109: {  	s6 =	sshra.s32 s6, $0x2;
	[sflag:s29] =	ssyncset.done $0x0  }
0x10a: {  	s9 =	sadd.s32 $0x2710, s6;
	[sflag:s29] =	ssyncadd.s32 $0xFFFFEC00  }
0x10b: {  	[spmem:s2] =	stream.indirect.scatter.add.f32 [tilespmem:s20], [sflag:$0x6], $0x40, s9, s19, $0xb8;
	[tilespmem:$0x17220] =	vst v63  }
0x10c: {  	_ =	swait.ge [sflag:s30], $0x1400  }
0x10d: {  	[sflag:s30] =	ssyncset.done $0x0  }
0x10e: {  	s9 =	sadd.s32 $0x2760, s6;
	[sflag:s30] =	ssyncadd.s32 $0xFFFFEC00  }
0x10f: {  	[spmem:s2] =	stream.indirect.scatter.add.f32 [tilespmem:s21], [sflag:$0x7], $0x40, s9, s19, $0xb8;
	[tilespmem:$0x17220] =	vst v63  }
0x110: {  	_ =	swait.ge [sflag:s31], $0x1400  }
0x111: {  	[sflag:s31] =	ssyncset.done $0x0  }
0x112: {  	s9 =	sadd.s32 $0x27B0, s6;
	[sflag:s31] =	ssyncadd.s32 $0xFFFFEC00  }
0x113: {  	[spmem:s2] =	stream.indirect.scatter.add.f32 [tilespmem:s23], [sflag:$0x8], $0x40, s9, s19, $0xb8;
	[tilespmem:$0x17220] =	vst v63  }
0x114: {  	_ =	swait.ge [sflag:s0], $0x1400  }
0x115: {  	[sflag:s0] =	ssyncset.done $0x0  }
0x116: {  	s9 =	sadd.s32 $0x2800, s6;
	[sflag:s0] =	ssyncadd.s32 $0xFFFFEC00  }
0x117: {  	[spmem:s2] =	stream.indirect.scatter.add.f32 [tilespmem:s25], [sflag:$0x9], $0x40, s9, s19, $0xb8;
	[tilespmem:$0x17220] =	vst v63  }
0x118: {  	_ =	swait.ge [sflag:s17], $0x1400  }
0x119: {  	[sflag:s17] =	ssyncset.done $0x0  }
0x11a: {  	s9 =	sadd.s32 $0x2850, s6;
	[sflag:s17] =	ssyncadd.s32 $0xFFFFEC00  }
0x11b: {  	[spmem:s2] =	stream.indirect.scatter.add.f32 [tilespmem:s28], [sflag:$0xA], $0x40, s9, s19, $0xb8;
	[tilespmem:$0x17220] =	vst v63  }
0x11c: {  	_ =	swait.ge [sflag:s1], $0x1400  }
0x11d: {  	[sflag:s1] =	ssyncset.done $0x0  }
0x11e: {  	s9 =	sadd.s32 $0x190, s6;
	[sflag:s1] =	ssyncadd.s32 $0xFFFFEC00  }
0x11f: {  	[tilespmem:s20], [sflag:$0x1] =	stream.indirect.gather [hbm4b:s5+s19], $0x40, s9, s19, $0xb8;
	[tilespmem:$0x17220] =	vst v63  }
0x120: {  	_ =	swait.ge [sflag:s3], $0x1400  }
0x121: {  	[sflag:s3] =	ssyncset.done $0x0  }
0x122: {  	s9 =	sadd.s32 $0x1E0, s6;
	[sflag:s3] =	ssyncadd.s32 $0xFFFFEC00  }
0x123: {  	[tilespmem:s21], [sflag:$0x2] =	stream.indirect.gather [hbm4b:s5+s19], $0x40, s9, s19, $0xb8;
	[tilespmem:$0x17220] =	vst v63  }
0x124: {  	_ =	swait.ge [sflag:s7], $0x1400  }
0x125: {  	[sflag:s7] =	ssyncset.done $0x0  }
0x126: {  	s9 =	sadd.s32 $0x230, s6;
	[sflag:s7] =	ssyncadd.s32 $0xFFFFEC00  }
0x127: {  	[tilespmem:s23], [sflag:$0x3] =	stream.indirect.gather [hbm4b:s5+s19], $0x40, s9, s19, $0xb8;
	[tilespmem:$0x17220] =	vst v63  }
0x128: {  	_ =	swait.ge [sflag:s13], $0x1400  }
0x129: {  	[sflag:s13] =	ssyncset.done $0x0  }
.Ltmp2:
0x12a: {  	s9 =	sadd.s32 $0x280, s6;
	[sflag:s13] =	ssyncadd.s32 $0xFFFFEC00;
	(pc) =	sbr.rel @p0 .LBB2_6-.Ltmp2, $4  }
0x12b: {  	[tilespmem:s25], [sflag:$0x4] =	stream.indirect.gather [hbm4b:s5+s19], $0x40, s9, s19, $0xb8;
	[tilespmem:$0x17220] =	vst v63  }
0x12c: {  	_ =	swait.ge [sflag:s14], $0x1400  }
0x12d: {  	[sflag:s14] =	ssyncset.done $0x0  }
0x12e: {  	s6 =	sadd.s32 $0x2D0, s6;
	[sflag:s14] =	ssyncadd.s32 $0xFFFFEC00  }
0x12f: {  	[tilespmem:s28], [sflag:$0x5] =	stream.indirect.gather [hbm4b:s5+s19], $0x40, s6, s19, $0xb8;
	[tilespmem:$0x17220] =	vst v63  }
0x130: {  	_ =	swait.ge [sflag:s29], $0x1400  }
0x131: {  	[sflag:s29] =	ssyncset.done $0x0  }
0x132: {  	s26 =	simm.s32 $0x4C90;
	[sflag:s29] =	ssyncadd.s32 $0xFFFFEC00  }
0x133: {  	[spmem:s2] =	stream.indirect.scatter.add.f32 [tilespmem:s20], [sflag:$0x6], $0x40, s26, s19, $0xb8;
	[tilespmem:$0x17220] =	vst v63  }
0x134: {  	_ =	swait.ge [sflag:s30], $0x1400  }
0x135: {  	[sflag:s30] =	ssyncset.done $0x0  }
0x136: {  	s9 =	simm.s32 $0x4CE0;
	[sflag:s30] =	ssyncadd.s32 $0xFFFFEC00  }
0x137: {  	[spmem:s2] =	stream.indirect.scatter.add.f32 [tilespmem:s21], [sflag:$0x7], $0x40, s9, s19, $0xb8;
	[tilespmem:$0x17220] =	vst v63  }
0x138: {  	_ =	swait.ge [sflag:s31], $0x1400  }
0x139: {  	[sflag:s31] =	ssyncset.done $0x0  }
0x13a: {  	s26 =	simm.s32 $0x4D30;
	[sflag:s31] =	ssyncadd.s32 $0xFFFFEC00  }
0x13b: {  	[spmem:s2] =	stream.indirect.scatter.add.f32 [tilespmem:s23], [sflag:$0x8], $0x40, s26, s19, $0xb8;
	[tilespmem:$0x17220] =	vst v63  }
0x13c: {  	_ =	swait.ge [sflag:s0], $0x1400  }
0x13d: {  	[sflag:s0] =	ssyncset.done $0x0  }
0x13e: {  	s9 =	simm.s32 $0x4D80;
	[sflag:s0] =	ssyncadd.s32 $0xFFFFEC00  }
0x13f: {  	[spmem:s2] =	stream.indirect.scatter.add.f32 [tilespmem:s25], [sflag:$0x9], $0x40, s9, s19, $0xb8;
	[tilespmem:$0x17220] =	vst v63  }
0x140: {  	_ =	swait.ge [sflag:s17], $0x1400  }
0x141: {  	[sflag:s17] =	ssyncset.done $0x0  }
0x142: {  	s26 =	simm.s32 $0x4DD0;
	[sflag:s17] =	ssyncadd.s32 $0xFFFFEC00  }
0x143: {  	[spmem:s2] =	stream.indirect.scatter.add.f32 [tilespmem:s28], [sflag:$0xA], $0x40, s26, s19, $0xb8;
	[tilespmem:$0x17220] =	vst v63  }
0x144: {  	_ =	swait.ge [sflag:s1], $0x1400  }
0x145: {  	[sflag:s1] =	ssyncset.done $0x0  }
0x146: {  	[sflag:s1] =	ssyncadd.s32 $0xFFFFEC00  }
0x147: {  	_ =	swait.ge [sflag:s3], $0x1400  }
0x148: {  	[sflag:s3] =	ssyncset.done $0x0  }
0x149: {  	[sflag:s3] =	ssyncadd.s32 $0xFFFFEC00  }
0x14a: {  	_ =	swait.ge [sflag:s7], $0x1400  }
0x14b: {  	[sflag:s7] =	ssyncset.done $0x0  }
0x14c: {  	[sflag:s7] =	ssyncadd.s32 $0xFFFFEC00  }
0x14d: {  	_ =	swait.ge [sflag:s13], $0x1400  }
0x14e: {  	[sflag:s13] =	ssyncset.done $0x0  }
0x14f: {  	[sflag:s13] =	ssyncadd.s32 $0xFFFFEC00  }
0x150: {  	_ =	swait.ge [sflag:s14], $0x1400  }
0x151: {  	[sflag:s14] =	ssyncset.done $0x0  }
0x152: {  	[sflag:s14] =	ssyncadd.s32 $0xFFFFEC00  }
0x153: {  	[bflag:$0x0] =	sbarrier.arrive $0xFFFF  }
0x154: {  	s9 =	rddreg [dreg:$0x8]  }
0x155: {  	[hbm:s9], [sflag:s15] =	dma.local [spmem:s24], $0x1400  }
0x156: {  	_ =	swait.ge [sflag:s16], $0x1400  }
0x157: {  	s22 =	sadd.s32 $0x1, s22;
	s26 =	rddreg [dreg:$0x9]  }
0x158: {  	p0 =	sne.s32 s22, s26  }
.Ltmp3:
0x159: {  	_ = 	snop;
	(pc) =	sbr.rel @p0 .LBB2_1-.Ltmp3, $3  }
0x15a: {  	_ =	sdelay $0x1  }
0x15b: {  	[sflag:s16] =	ssyncset.done $0x0  }
0x15c: {  	[sflag:s16] =	ssyncadd.s32 $0xFFFFEC00;
	s26 =	smov.u32 s10  }
0x15d: {  	_ =	sfence.sel $0x180000  }
0x15e: {  	[bflag:$0x0] =	sbarrier.arrive $0xFFFF  }
0x15f: {  	_ =	strace $0x9000004A  }
0x160: {  	s0 =	stileid.u32;
	[bflag:$0x2] =	sbarrier.arrive $0xFFFF  }
0x161: {  	p0 =	sne.s32 s0, $0x0;
	s0 =	rddreg [dreg:$0x3]  }
0x162: {  	s0 =	sadd.s32 @!p0 $0x100000, s0  }
0x163: {  	[sflag:s0] =	ssyncadd.tile.s32 @!p0 $0x1;
	_ =	shalt  }
.Lfunc_end2:
_tile_overlayer_lowered:
.L_overlay_start_2:
0x164: {  	(tag) =	ssettag $0x2  }
0x165: {  	s0 =	rddreg [dreg:$0x0];
	s2 =	stileid.u32  }
0x166: {  	s1 =	rddreg [dreg:$0x1];
	p0 =	sne.s32 s2, $0x0  }
0x167: {  	s3 =	rddreg [dreg:$0x2];
	[bflag:$0x3] =	sbarrier.arrive $0xFFFF;
	s2 =	simm.s32 @!p0 $0x1C0B  }
0x168: {  	[timem:s3], [sflag:s2] =	dma.local @!p0 [hbm:s0], s1  }
0x169: {  	s0 =	simm.s32 @!p0 $0xB  }
0x16a: {  	_ =	swait.ge @!p0 [sflag:s0], s1  }
0x16b: {  	s1 =	ssub.s32 @!p0 $0x0, s1;
	[sflag:s0] =	ssyncset.done @!p0 $0x0  }
0x16c: {  	[sflag:s0] =	ssyncadd.s32 @!p0 s1  }
0x16d: {  	[bflag:$0x3] =	sbarrier.arrive $0xFFFF  }
0x16e: {  	_ =	shalt  }

</sc_bundles>
